<compile_context>
chip_gen: v7x
topology: tpu7x:2x2x1
jax: 0.10.2.dev20260603
libtpu: 0.0.44.dev20260713+nightly
codegen_flags: <defaults>
</compile_context>

<pallas_src>
import functools

import jax
import jax.numpy as jnp
from jax import lax
from jax.experimental import pallas as pl
from jax.experimental.pallas import tpu as pltpu
from jax.experimental.pallas import tpu_sc as plsc

N = 4
C = 21
HW = 512 * 512
TILES_PER_SAMPLE = 8
PIX_PER_TILE = HW // TILES_PER_SAMPLE
CH = 1024
NCHUNK = PIX_PER_TILE // CH
B = 4096
R = 8.0
SCALE = B / R
NG = B // 16


def _body(in_hbm, tg_hbm, out_hbm, in_buf, tg_buf, hist, red, tmp, out_v,
          shared):
    cid = lax.axis_index("c")
    sid = lax.axis_index("s")
    sample = cid * 2 + sid // 8
    slc = sid % 8
    base_pix = slc * PIX_PER_TILE

    lane = lax.iota(jnp.int32, 16)
    zeros16 = jnp.zeros((16,), jnp.int32)

    def zero_body(g, _):
        for u in range(8):
            hist[pl.ds((g * 8 + u) * 16, 16)] = zeros16
        return 0
    lax.fori_loop(0, B * 16 // (16 * 8), zero_body, 0)

    def chunk_body(ch, _):
        p0 = base_pix + ch * CH
        pltpu.sync_copy(tg_hbm.at[sample, pl.ds(p0, CH)], tg_buf)
        pltpu.sync_copy(in_hbm.at[sample, :, pl.ds(p0, CH)], in_buf)

        def pix_body(i, _):
            t = tg_buf[pl.ds(i * 16, 16)]
            for cls in range(C):
                x = in_buf[cls, pl.ds(i * 16, 16)]
                m = t == cls
                bf_neg = x * SCALE + SCALE
                bf = jnp.where(m, 2.0 * SCALE - bf_neg, bf_neg)
                keep = bf > 0.0
                bidx = jnp.minimum(bf, B - 1.0).astype(jnp.int32)
                bidx = jnp.maximum(bidx, 0)
                idx = bidx * 16 + lane
                addend = jnp.where(m, 1 << 16, 1)
                plsc.addupdate_scatter(hist, [idx], addend, mask=keep)
            return 0
        lax.fori_loop(0, CH // 16, pix_body, 0)
        return 0
    lax.fori_loop(0, NCHUNK, chunk_body, 0)

    def lred_body(g, _):
        accn = zeros16
        accp = zeros16
        for j in range(16):
            w = hist[pl.ds((g * 16 + j) * 16, 16)]
            sn = jnp.sum(w & 0xFFFF)
            sp = jnp.sum(lax.shift_right_logical(w, 16))
            sel = lane == j
            accn = jnp.where(sel, sn, accn)
            accp = jnp.where(sel, sp, accp)
        red[pl.ds(g * 16, 16)] = accn
        red[pl.ds(B + g * 16, 16)] = accp
        return 0
    lax.fori_loop(0, NG, lred_body, 0)

    pltpu.sync_copy(red, shared.at[sid])
    plsc.subcore_barrier()

    @pl.when(sid % 8 == 0)
    def _finalize():
        def acc_tile(j, _):
            pltpu.sync_copy(shared.at[sid + j], tmp)

            def acc_vec(g, _):
                red[pl.ds(g * 16, 16)] = (red[pl.ds(g * 16, 16)]
                                          + tmp[pl.ds(g * 16, 16)])
                return 0
            lax.fori_loop(0, 2 * B // 16, acc_vec, 0)
            return 0
        lax.fori_loop(1, TILES_PER_SAMPLE, acc_tile, 0)

        s_tot = jnp.float32(HW)

        def grp_body(k, carry):
            cq, cp, acc = carry
            g = NG - 1 - k
            qv = red[pl.ds(g * 16, 16)].astype(jnp.float32)
            pv = red[pl.ds(B + g * 16, 16)].astype(jnp.float32)
            rq = lax.rev(qv, (0,))
            rp = lax.rev(pv, (0,))
            rb = (g * 16 + 15 - lane).astype(jnp.float32)
            emid = (rb + 0.5) * (R / B)
            q0 = cq + plsc.cumsum(rq) - rq
            p0 = cp + plsc.cumsum(rp) - rp
            den1 = s_tot + q0
            den2 = den1 + rq
            term = emid * (rp / den1
                           + (s_tot - p0 - rp) * rq / (den1 * den2))
            return (cq + jnp.sum(rq), cp + jnp.sum(rp), acc + term)

        init = (jnp.float32(0), jnp.float32(0), jnp.zeros((16,), jnp.float32))
        _, _, acc = lax.fori_loop(0, NG, grp_body, init)
        out_v[...] = acc
        pltpu.sync_copy(out_v, out_hbm.at[sample])


_lovasz_sc = functools.partial(
    pl.kernel,
    out_type=jax.ShapeDtypeStruct((N, 16), jnp.float32),
    mesh=plsc.VectorSubcoreMesh(core_axis_name="c", subcore_axis_name="s"),
    compiler_params=pltpu.CompilerParams(needs_layout_passes=False),
    scratch_types=[
        pltpu.VMEM((C, CH), jnp.float32),
        pltpu.VMEM((CH,), jnp.int32),
        pltpu.VMEM((B * 16,), jnp.int32),
        pltpu.VMEM((2 * B,), jnp.int32),
        pltpu.VMEM((2 * B,), jnp.int32),
        pltpu.VMEM((16,), jnp.float32),
        pltpu.VMEM_SHARED((16, 2 * B), jnp.int32),
    ],
)(_body)


def kernel(inputs, targets):
    x = inputs.reshape(N, C, HW)
    t = targets.astype(jnp.int32).reshape(N, HW)
    out = _lovasz_sc(x, t)
    return jnp.sum(out) / N

# --- scband reference (transcript-rebuilt; emitter-appended) ---
"""Pipeline reference for scband-lovasz-loss2d-7395933684159 (READ-ONLY COPY).

The authoritative reference and input builder live on the scoring server;
editing this copy changes nothing except your own understanding.
"""

import jax, jax.numpy as jnp
import numpy as np


def setup_inputs(seed: int = 0) -> dict:
    key = jax.random.key(seed)
    k1, k2 = jax.random.split(key)
    inputs = jax.random.normal(k1, (4, 21, 512, 512), dtype=jnp.float32)
    targets = jax.random.randint(k2, (4, 512, 512), 0, 21, dtype=jnp.int64)
    return {"inputs": inputs, "targets": targets}


def reference(inputs, targets):
    targets = targets.astype(jnp.int64)
    N, C, H, W = inputs.shape
    # scatter_(1, targets.view(N,1,H,W), 1) == one-hot along channel axis
    masks = jax.nn.one_hot(targets, C, axis=1, dtype=inputs.dtype)  # [N, C, H, W]
    masks_flat = masks.reshape(N, -1)
    inputs_flat = inputs.reshape(N, -1)

    def per_sample(mask, inp):
        max_margin_errors = 1.0 - (mask * 2.0 - 1.0) * inp
        # descending sort
        order = jnp.argsort(-max_margin_errors)
        errors_sorted = jnp.take(max_margin_errors, order)
        labels_sorted = jnp.take(mask, order)
        s = jnp.sum(labels_sorted)
        inter = s - jnp.cumsum(labels_sorted)
        union = s + jnp.cumsum(1.0 - labels_sorted)
        iou = 1.0 - inter / union
        # iou[1:] = iou[1:] - iou[:-1]
        iou = jnp.concatenate([iou[:1], iou[1:] - iou[:-1]])
        return jnp.dot(jax.nn.relu(errors_sorted), iou)

    losses = jax.vmap(per_sample)(masks_flat, inputs_flat)
    return jnp.sum(losses) / N

if __name__ == "__main__":
    import jax
    _d = setup_inputs()
    print(jax.jit(kernel)(*tuple(_d.values())))

</pallas_src>

<mosaic_0001>
#map = affine_map<(d0, d1) -> (0, 0, 0)>
#map1 = affine_map<(d0, d1) -> (0, 0)>
module attributes {stable_mosaic.version = 14 : i64} {
  func.func @_body(%arg0: i32, %arg1: i32, %arg2: memref<4x21x262144xf32, #tpu.memory_space<hbm>>, %arg3: memref<4x262144xi32, #tpu.memory_space<hbm>>, %arg4: memref<4x16xf32, #tpu.memory_space<hbm>>, %arg5: memref<21x1024xf32, #tpu.memory_space<vmem>>, %arg6: memref<1024xi32, #tpu.memory_space<vmem>>, %arg7: memref<65536xi32, #tpu.memory_space<vmem>>, %arg8: memref<8192xi32, #tpu.memory_space<vmem>>, %arg9: memref<8192xi32, #tpu.memory_space<vmem>>, %arg10: memref<16xf32, #tpu.memory_space<vmem>>, %arg11: memref<16x8192xi32, #tpu.memory_space<vmem_shared>>) attributes {dimension_semantics = [#tpu.dimension_semantics<core_parallel>, #tpu.dimension_semantics<subcore_parallel>], iteration_bounds = array<i64: 2, 16>, scalar_prefetch = 0 : i64, scratch_operands = 7 : i64, tpu.core_type = #tpu.core_type<sc_vector_subcore>, window_params = [{transform_indices = #map}, {transform_indices = #map1}, {transform_indices = #map1}]} {
    %mul3A = arith.constant 2 : i32
    %mul3A_0 = arith.muli %arg0, %mul3A : i32
    %jit3A = arith.constant 8 : i32
    %div3A = arith.divsi %arg1, %jit3A : i32
    %sign3A = arith.constant 0 : i32
    %sign3A_1 = arith.cmpi sgt, %arg1, %sign3A : i32
    %sign3A_2 = arith.extui %sign3A_1 : i1 to i32
    %sign3A_3 = arith.constant 0 : i32
    %sign3A_4 = arith.cmpi slt, %arg1, %sign3A_3 : i32
    %sign3A_5 = arith.extui %sign3A_4 : i1 to i32
    %sign3A_6 = arith.subi %sign3A_2, %sign3A_5 : i32
    %sign3A_7 = arith.constant 0 : i32
    %sign3A_8 = arith.cmpi sgt, %jit3A, %sign3A_7 : i32
    %sign3A_9 = arith.extui %sign3A_8 : i1 to i32
    %sign3A_10 = arith.constant 0 : i32
    %sign3A_11 = arith.cmpi slt, %jit3A, %sign3A_10 : i32
    %sign3A_12 = arith.extui %sign3A_11 : i1 to i32
    %sign3A_13 = arith.subi %sign3A_9, %sign3A_12 : i32
    %ne3A = arith.cmpi ne, %sign3A_6, %sign3A_13 : i32
    %rem3A = arith.remsi %arg1, %jit3A : i32
    %ne3A_14 = arith.constant 0 : i32
    %ne3A_15 = arith.cmpi ne, %rem3A, %ne3A_14 : i32
    %and3A = arith.andi %ne3A, %ne3A_15 : i1
    %sub3A = arith.constant 1 : i32
    %sub3A_16 = arith.subi %div3A, %sub3A : i32
    %select_n3A = arith.select %and3A, %sub3A_16, %div3A : i32
    %add3A = arith.addi %mul3A_0, %select_n3A : i32
    %jit3A_17 = arith.constant 8 : i32
    %eq3A = arith.constant 0 : i32
    %eq3A_18 = arith.cmpi eq, %jit3A_17, %eq3A : i32
    %jit3A_19 = arith.constant 1 : i32
    %select_n3A_20 = arith.select %eq3A_18, %jit3A_19, %jit3A_17 : i32
    %rem3A_21 = arith.remsi %arg1, %select_n3A_20 : i32
    %ne3A_22 = arith.constant 0 : i32
    %ne3A_23 = arith.cmpi ne, %rem3A_21, %ne3A_22 : i32
    %lt3A = arith.constant 0 : i32
    %lt3A_24 = arith.cmpi slt, %rem3A_21, %lt3A : i32
    %lt3A_25 = arith.constant 0 : i32
    %lt3A_26 = arith.cmpi slt, %select_n3A_20, %lt3A_25 : i32
    %ne3A_27 = arith.xori %lt3A_24, %lt3A_26 : i1
    %and3A_28 = arith.andi %ne3A_27, %ne3A_23 : i1
    %add3A_29 = arith.addi %rem3A_21, %select_n3A_20 : i32
    %select_n3A_30 = arith.select %and3A_28, %add3A_29, %rem3A_21 : i32
    %mul3A_31 = arith.constant 32768 : i32
    %mul3A_32 = arith.muli %select_n3A_30, %mul3A_31 : i32
    %iota3A = tpu.iota {dimensions = array<i32: 0>} : vector<16xi32>
    %broadcast_in_dim3A = arith.constant 0 : i32
    %broadcast_in_dim3A_33 = vector.broadcast %broadcast_in_dim3A : i32 to vector<16xi32>
    %scan3A = arith.constant 0 : i32
    %scan3A_34 = arith.constant 0 : i32
    %scan3A_35 = arith.constant 512 : i32
    %scan3A_36 = arith.addi %scan3A_34, %scan3A_35 : i32
    %scan3A_37 = arith.constant 1 : i32
    %scan3A_38 = scf.for %scan3A_73 = %scan3A_34 to %scan3A_36 step %scan3A_37 iter_args(%scan3A_74 = %scan3A) -> (i32)  : i32 {
      %mul3A_75 = arith.constant 8 : i32
      %mul3A_76 = arith.muli %scan3A_73, %mul3A_75 : i32
      %add3A_77 = arith.constant 0 : i32
      %add3A_78 = arith.addi %mul3A_76, %add3A_77 : i32
      %mul3A_79 = arith.constant 16 : i32
      %mul3A_80 = arith.muli %add3A_78, %mul3A_79 : i32
      %swap3A = arith.index_cast %mul3A_80 : i32 to index
      %swap3A_81 = tpu.vector_load %arg7[%swap3A] {strides = array<i32>} : memref<65536xi32, #tpu.memory_space<vmem>>, vector<16xi32>,
      tpu.vector_store %arg7[%swap3A], %broadcast_in_dim3A_33 {strides = array<i32>} : memref<65536xi32, #tpu.memory_space<vmem>>, vector<16xi32>,
      %mul3A_82 = arith.constant 8 : i32
      %mul3A_83 = arith.muli %scan3A_73, %mul3A_82 : i32
      %add3A_84 = arith.constant 1 : i32
      %add3A_85 = arith.addi %mul3A_83, %add3A_84 : i32
      %mul3A_86 = arith.constant 16 : i32
      %mul3A_87 = arith.muli %add3A_85, %mul3A_86 : i32
      %swap3A_88 = arith.index_cast %mul3A_87 : i32 to index
      %swap3A_89 = tpu.vector_load %arg7[%swap3A_88] {strides = array<i32>} : memref<65536xi32, #tpu.memory_space<vmem>>, vector<16xi32>,
      tpu.vector_store %arg7[%swap3A_88], %broadcast_in_dim3A_33 {strides = array<i32>} : memref<65536xi32, #tpu.memory_space<vmem>>, vector<16xi32>,
      %mul3A_90 = arith.constant 8 : i32
      %mul3A_91 = arith.muli %scan3A_73, %mul3A_90 : i32
      %add3A_92 = arith.constant 2 : i32
      %add3A_93 = arith.addi %mul3A_91, %add3A_92 : i32
      %mul3A_94 = arith.constant 16 : i32
      %mul3A_95 = arith.muli %add3A_93, %mul3A_94 : i32
      %swap3A_96 = arith.index_cast %mul3A_95 : i32 to index
      %swap3A_97 = tpu.vector_load %arg7[%swap3A_96] {strides = array<i32>} : memref<65536xi32, #tpu.memory_space<vmem>>, vector<16xi32>,
      tpu.vector_store %arg7[%swap3A_96], %broadcast_in_dim3A_33 {strides = array<i32>} : memref<65536xi32, #tpu.memory_space<vmem>>, vector<16xi32>,
      %mul3A_98 = arith.constant 8 : i32
      %mul3A_99 = arith.muli %scan3A_73, %mul3A_98 : i32
      %add3A_100 = arith.constant 3 : i32
      %add3A_101 = arith.addi %mul3A_99, %add3A_100 : i32
      %mul3A_102 = arith.constant 16 : i32
      %mul3A_103 = arith.muli %add3A_101, %mul3A_102 : i32
      %swap3A_104 = arith.index_cast %mul3A_103 : i32 to index
      %swap3A_105 = tpu.vector_load %arg7[%swap3A_104] {strides = array<i32>} : memref<65536xi32, #tpu.memory_space<vmem>>, vector<16xi32>,
      tpu.vector_store %arg7[%swap3A_104], %broadcast_in_dim3A_33 {strides = array<i32>} : memref<65536xi32, #tpu.memory_space<vmem>>, vector<16xi32>,
      %mul3A_106 = arith.constant 8 : i32
      %mul3A_107 = arith.muli %scan3A_73, %mul3A_106 : i32
      %add3A_108 = arith.constant 4 : i32
      %add3A_109 = arith.addi %mul3A_107, %add3A_108 : i32
      %mul3A_110 = arith.constant 16 : i32
      %mul3A_111 = arith.muli %add3A_109, %mul3A_110 : i32
      %swap3A_112 = arith.index_cast %mul3A_111 : i32 to index
      %swap3A_113 = tpu.vector_load %arg7[%swap3A_112] {strides = array<i32>} : memref<65536xi32, #tpu.memory_space<vmem>>, vector<16xi32>,
      tpu.vector_store %arg7[%swap3A_112], %broadcast_in_dim3A_33 {strides = array<i32>} : memref<65536xi32, #tpu.memory_space<vmem>>, vector<16xi32>,
      %mul3A_114 = arith.constant 8 : i32
      %mul3A_115 = arith.muli %scan3A_73, %mul3A_114 : i32
      %add3A_116 = arith.constant 5 : i32
      %add3A_117 = arith.addi %mul3A_115, %add3A_116 : i32
      %mul3A_118 = arith.constant 16 : i32
      %mul3A_119 = arith.muli %add3A_117, %mul3A_118 : i32
      %swap3A_120 = arith.index_cast %mul3A_119 : i32 to index
      %swap3A_121 = tpu.vector_load %arg7[%swap3A_120] {strides = array<i32>} : memref<65536xi32, #tpu.memory_space<vmem>>, vector<16xi32>,
      tpu.vector_store %arg7[%swap3A_120], %broadcast_in_dim3A_33 {strides = array<i32>} : memref<65536xi32, #tpu.memory_space<vmem>>, vector<16xi32>,
      %mul3A_122 = arith.constant 8 : i32
      %mul3A_123 = arith.muli %scan3A_73, %mul3A_122 : i32
      %add3A_124 = arith.constant 6 : i32
      %add3A_125 = arith.addi %mul3A_123, %add3A_124 : i32
      %mul3A_126 = arith.constant 16 : i32
      %mul3A_127 = arith.muli %add3A_125, %mul3A_126 : i32
      %swap3A_128 = arith.index_cast %mul3A_127 : i32 to index
      %swap3A_129 = tpu.vector_load %arg7[%swap3A_128] {strides = array<i32>} : memref<65536xi32, #tpu.memory_space<vmem>>, vector<16xi32>,
      tpu.vector_store %arg7[%swap3A_128], %broadcast_in_dim3A_33 {strides = array<i32>} : memref<65536xi32, #tpu.memory_space<vmem>>, vector<16xi32>,
      %mul3A_130 = arith.constant 8 : i32
      %mul3A_131 = arith.muli %scan3A_73, %mul3A_130 : i32
      %add3A_132 = arith.constant 7 : i32
      %add3A_133 = arith.addi %mul3A_131, %add3A_132 : i32
      %mul3A_134 = arith.constant 16 : i32
      %mul3A_135 = arith.muli %add3A_133, %mul3A_134 : i32
      %swap3A_136 = arith.index_cast %mul3A_135 : i32 to index
      %swap3A_137 = tpu.vector_load %arg7[%swap3A_136] {strides = array<i32>} : memref<65536xi32, #tpu.memory_space<vmem>>, vector<16xi32>,
      tpu.vector_store %arg7[%swap3A_136], %broadcast_in_dim3A_33 {strides = array<i32>} : memref<65536xi32, #tpu.memory_space<vmem>>, vector<16xi32>,
      %scan3A_138 = arith.constant 0 : i32
      scf.yield %scan3A_138 : i32
    }
    %scan3A_39 = arith.constant 512 : i32
    %scan3A_40 = arith.constant 0 : i32
    %scan3A_41 = arith.constant 0 : i32
    %scan3A_42 = arith.constant 32 : i32
    %scan3A_43 = arith.addi %scan3A_41, %scan3A_42 : i32
    %scan3A_44 = arith.constant 1 : i32
    %scan3A_45 = scf.for %scan3A_73 = %scan3A_41 to %scan3A_43 step %scan3A_44 iter_args(%scan3A_74 = %scan3A_40) -> (i32)  : i32 {
      %mul3A_75 = arith.constant 1024 : i32
      %mul3A_76 = arith.muli %scan3A_73, %mul3A_75 : i32
      %add3A_77 = arith.addi %mul3A_32, %mul3A_76 : i32
      "tpu.region"() ({
        %run_scoped3A = tpu.sem_alloc : memref<!tpu.dma_semaphore, #tpu.memory_space<semaphore_mem>>
        %dma_start3A = tpu.memref_slice %arg3[%add3A, %add3A_77] : memref<4x262144xi32, #tpu.memory_space<hbm>> -> memref<1x1024xi32, #tpu.memory_space<hbm>>
        %dma_start3A_86 = tpu.memref_squeeze %dma_start3A : memref<1x1024xi32, #tpu.memory_space<hbm>> -> memref<1024xi32, #tpu.memory_space<hbm>>
        %dma_start3A_87 = tpu.memref_slice %arg3[%add3A, %add3A_77] : memref<4x262144xi32, #tpu.memory_space<hbm>> -> memref<1x1024xi32, #tpu.memory_space<hbm>>
        %dma_start3A_88 = tpu.memref_squeeze %dma_start3A_87 : memref<1x1024xi32, #tpu.memory_space<hbm>> -> memref<1024xi32, #tpu.memory_space<hbm>>
        tpu.enqueue_dma source(%dma_start3A_88 : memref<1024xi32, #tpu.memory_space<hbm>>) target(%arg6 : memref<1024xi32, #tpu.memory_space<vmem>>) target_semaphore(%run_scoped3A : memref<!tpu.dma_semaphore, #tpu.memory_space<semaphore_mem>>)
        %dma_wait3A = tpu.memref_slice %arg3[%add3A, %add3A_77] : memref<4x262144xi32, #tpu.memory_space<hbm>> -> memref<1x1024xi32, #tpu.memory_space<hbm>>
        %dma_wait3A_89 = tpu.memref_squeeze %dma_wait3A : memref<1x1024xi32, #tpu.memory_space<hbm>> -> memref<1024xi32, #tpu.memory_space<hbm>>
        %dma_wait3A_90 = tpu.memref_slice %arg3[%add3A, %add3A_77] : memref<4x262144xi32, #tpu.memory_space<hbm>> -> memref<1x1024xi32, #tpu.memory_space<hbm>>
        %dma_wait3A_91 = tpu.memref_squeeze %dma_wait3A_90 : memref<1x1024xi32, #tpu.memory_space<hbm>> -> memref<1024xi32, #tpu.memory_space<hbm>>
        tpu.wait_dma2 semaphore(%run_scoped3A : memref<!tpu.dma_semaphore, #tpu.memory_space<semaphore_mem>>) src(%dma_wait3A_91 : memref<1024xi32, #tpu.memory_space<hbm>>) dst(%arg6 : memref<1024xi32, #tpu.memory_space<vmem>>)
        tpu.yield
      }) : () -> ()
      "tpu.region"() ({
        %run_scoped3A = tpu.sem_alloc : memref<!tpu.dma_semaphore, #tpu.memory_space<semaphore_mem>>
        %dma_start3A = arith.constant 0 : i32
        %dma_start3A_86 = tpu.memref_slice %arg2[%add3A, %dma_start3A, %add3A_77] : memref<4x21x262144xf32, #tpu.memory_space<hbm>> -> memref<1x21x1024xf32, #tpu.memory_space<hbm>>
        %dma_start3A_87 = tpu.memref_squeeze %dma_start3A_86 : memref<1x21x1024xf32, #tpu.memory_space<hbm>> -> memref<21x1024xf32, #tpu.memory_space<hbm>>
        %dma_start3A_88 = arith.constant 0 : i32
        %dma_start3A_89 = tpu.memref_slice %arg2[%add3A, %dma_start3A_88, %add3A_77] : memref<4x21x262144xf32, #tpu.memory_space<hbm>> -> memref<1x21x1024xf32, #tpu.memory_space<hbm>>
        %dma_start3A_90 = tpu.memref_squeeze %dma_start3A_89 : memref<1x21x1024xf32, #tpu.memory_space<hbm>> -> memref<21x1024xf32, #tpu.memory_space<hbm>>
        tpu.enqueue_dma source(%dma_start3A_90 : memref<21x1024xf32, #tpu.memory_space<hbm>>) target(%arg5 : memref<21x1024xf32, #tpu.memory_space<vmem>>) target_semaphore(%run_scoped3A : memref<!tpu.dma_semaphore, #tpu.memory_space<semaphore_mem>>)
        %dma_wait3A = arith.constant 0 : i32
        %dma_wait3A_91 = tpu.memref_slice %arg2[%add3A, %dma_wait3A, %add3A_77] : memref<4x21x262144xf32, #tpu.memory_space<hbm>> -> memref<1x21x1024xf32, #tpu.memory_space<hbm>>
        %dma_wait3A_92 = tpu.memref_squeeze %dma_wait3A_91 : memref<1x21x1024xf32, #tpu.memory_space<hbm>> -> memref<21x1024xf32, #tpu.memory_space<hbm>>
        %dma_wait3A_93 = arith.constant 0 : i32
        %dma_wait3A_94 = tpu.memref_slice %arg2[%add3A, %dma_wait3A_93, %add3A_77] : memref<4x21x262144xf32, #tpu.memory_space<hbm>> -> memref<1x21x1024xf32, #tpu.memory_space<hbm>>
        %dma_wait3A_95 = tpu.memref_squeeze %dma_wait3A_94 : memref<1x21x1024xf32, #tpu.memory_space<hbm>> -> memref<21x1024xf32, #tpu.memory_space<hbm>>
        tpu.wait_dma2 semaphore(%run_scoped3A : memref<!tpu.dma_semaphore, #tpu.memory_space<semaphore_mem>>) src(%dma_wait3A_95 : memref<21x1024xf32, #tpu.memory_space<hbm>>) dst(%arg5 : memref<21x1024xf32, #tpu.memory_space<vmem>>)
        tpu.yield
      }) : () -> ()
      %scan3A_78 = arith.constant 0 : i32
      %scan3A_79 = arith.constant 0 : i32
      %scan3A_80 = arith.constant 64 : i32
      %scan3A_81 = arith.addi %scan3A_79, %scan3A_80 : i32
      %scan3A_82 = arith.constant 1 : i32
      %scan3A_83 = scf.for %scan3A_86 = %scan3A_79 to %scan3A_81 step %scan3A_82 iter_args(%scan3A_87 = %scan3A_78) -> (i32)  : i32 {
        %mul3A_88 = arith.constant 16 : i32
        %mul3A_89 = arith.muli %scan3A_86, %mul3A_88 : i32
        %get3A = arith.index_cast %mul3A_89 : i32 to index
        %get3A_90 = tpu.vector_load %arg6[%get3A] {strides = array<i32>} : memref<1024xi32, #tpu.memory_space<vmem>>, vector<16xi32>,
        %mul3A_91 = arith.constant 16 : i32
        %mul3A_92 = arith.muli %scan3A_86, %mul3A_91 : i32
        %get3A_93 = arith.constant 0 : i32
        %get3A_94 = arith.index_cast %get3A_93 : i32 to index
        %get3A_95 = arith.index_cast %mul3A_92 : i32 to index
        %get3A_96 = tpu.vector_load %arg5[%get3A_94, %get3A_95] {strides = array<i32>} : memref<21x1024xf32, #tpu.memory_space<vmem>>, vector<16xf32>,
        %eq3A_97 = arith.constant 0 : i32
        %eq3A_98 = vector.broadcast %eq3A_97 : i32 to vector<16xi32>
        %eq3A_99 = arith.cmpi eq, %get3A_90, %eq3A_98 : vector<16xi32>
        %mul3A_100 = arith.constant 5.120000e+02 : f32
        %mul3A_101 = vector.broadcast %mul3A_100 : f32 to vector<16xf32>
        %mul3A_102 = arith.mulf %get3A_96, %mul3A_101 : vector<16xf32>
        %add3A_103 = arith.constant 5.120000e+02 : f32
        %add3A_104 = vector.broadcast %add3A_103 : f32 to vector<16xf32>
        %add3A_105 = arith.addf %mul3A_102, %add3A_104 : vector<16xf32>
        %sub3A_106 = arith.constant 1.024000e+03 : f32
        %sub3A_107 = vector.broadcast %sub3A_106 : f32 to vector<16xf32>
        %sub3A_108 = arith.subf %sub3A_107, %add3A_105 : vector<16xf32>
        %select_n3A_109 = arith.select %eq3A_99, %sub3A_108, %add3A_105 : vector<16xi1>, vector<16xf32>
        %gt3A = arith.constant 0.000000e+00 : f32
        %gt3A_110 = vector.broadcast %gt3A : f32 to vector<16xf32>
        %gt3A_111 = arith.cmpf ogt, %select_n3A_109, %gt3A_110 : vector<16xf32>
        %min3A = arith.constant 4.095000e+03 : f32
        %min3A_112 = vector.broadcast %min3A : f32 to vector<16xf32>
        %min3A_113 = arith.minimumf %select_n3A_109, %min3A_112 : vector<16xf32>
        %convert_element_type3A_114 = arith.fptosi %min3A_113 : vector<16xf32> to vector<16xi32>
        %max3A = arith.constant 0 : i32
        %max3A_115 = vector.broadcast %max3A : i32 to vector<16xi32>
        %max3A_116 = arith.maxsi %convert_element_type3A_114, %max3A_115 : vector<16xi32>
        %mul3A_117 = arith.constant 16 : i32
        %mul3A_118 = vector.broadcast %mul3A_117 : i32 to vector<16xi32>
        %mul3A_119 = arith.muli %max3A_116, %mul3A_118 : vector<16xi32>
        %add3A_120 = arith.addi %mul3A_119, %iota3A : vector<16xi32>
        %jit3A_121 = arith.constant 65536 : i32
        %jit3A_122 = arith.constant 1 : i32
        %broadcast_in_dim3A_123 = vector.broadcast %jit3A_121 : i32 to vector<16xi32>
        %broadcast_in_dim3A_124 = vector.broadcast %jit3A_122 : i32 to vector<16xi32>
        %select_n3A_125 = arith.select %eq3A_99, %broadcast_in_dim3A_123, %broadcast_in_dim3A_124 : vector<16xi1>, vector<16xi32>
        tpu.vector_store_idx %arg7[%add3A_120], %select_n3A_125 masked %gt3A_111 {add = true} : memref<65536xi32, #tpu.memory_space<vmem>>[vector<16xi32>], vector<16xi32>, vector<16xi1>
        %mul3A_126 = arith.constant 16 : i32
        %mul3A_127 = arith.muli %scan3A_86, %mul3A_126 : i32
        %get3A_128 = arith.constant 1 : i32
        %get3A_129 = arith.index_cast %get3A_128 : i32 to index
        %get3A_130 = arith.index_cast %mul3A_127 : i32 to index
        %get3A_131 = tpu.vector_load %arg5[%get3A_129, %get3A_130] {strides = array<i32>} : memref<21x1024xf32, #tpu.memory_space<vmem>>, vector<16xf32>,
        %eq3A_132 = arith.constant 1 : i32
        %eq3A_133 = vector.broadcast %eq3A_132 : i32 to vector<16xi32>
        %eq3A_134 = arith.cmpi eq, %get3A_90, %eq3A_133 : vector<16xi32>
        %mul3A_135 = arith.constant 5.120000e+02 : f32
        %mul3A_136 = vector.broadcast %mul3A_135 : f32 to vector<16xf32>
        %mul3A_137 = arith.mulf %get3A_131, %mul3A_136 : vector<16xf32>
        %add3A_138 = arith.constant 5.120000e+02 : f32
        %add3A_139 = vector.broadcast %add3A_138 : f32 to vector<16xf32>
        %add3A_140 = arith.addf %mul3A_137, %add3A_139 : vector<16xf32>
        %sub3A_141 = arith.constant 1.024000e+03 : f32
        %sub3A_142 = vector.broadcast %sub3A_141 : f32 to vector<16xf32>
        %sub3A_143 = arith.subf %sub3A_142, %add3A_140 : vector<16xf32>
        %select_n3A_144 = arith.select %eq3A_134, %sub3A_143, %add3A_140 : vector<16xi1>, vector<16xf32>
        %gt3A_145 = arith.constant 0.000000e+00 : f32
        %gt3A_146 = vector.broadcast %gt3A_145 : f32 to vector<16xf32>
        %gt3A_147 = arith.cmpf ogt, %select_n3A_144, %gt3A_146 : vector<16xf32>
        %min3A_148 = arith.constant 4.095000e+03 : f32
        %min3A_149 = vector.broadcast %min3A_148 : f32 to vector<16xf32>
        %min3A_150 = arith.minimumf %select_n3A_144, %min3A_149 : vector<16xf32>
        %convert_element_type3A_151 = arith.fptosi %min3A_150 : vector<16xf32> to vector<16xi32>
        %max3A_152 = arith.constant 0 : i32
        %max3A_153 = vector.broadcast %max3A_152 : i32 to vector<16xi32>
        %max3A_154 = arith.maxsi %convert_element_type3A_151, %max3A_153 : vector<16xi32>
        %mul3A_155 = arith.constant 16 : i32
        %mul3A_156 = vector.broadcast %mul3A_155 : i32 to vector<16xi32>
        %mul3A_157 = arith.muli %max3A_154, %mul3A_156 : vector<16xi32>
        %add3A_158 = arith.addi %mul3A_157, %iota3A : vector<16xi32>
        %jit3A_159 = arith.constant 65536 : i32
        %jit3A_160 = arith.constant 1 : i32
        %broadcast_in_dim3A_161 = vector.broadcast %jit3A_159 : i32 to vector<16xi32>
        %broadcast_in_dim3A_162 = vector.broadcast %jit3A_160 : i32 to vector<16xi32>
        %select_n3A_163 = arith.select %eq3A_134, %broadcast_in_dim3A_161, %broadcast_in_dim3A_162 : vector<16xi1>, vector<16xi32>
        tpu.vector_store_idx %arg7[%add3A_158], %select_n3A_163 masked %gt3A_147 {add = true} : memref<65536xi32, #tpu.memory_space<vmem>>[vector<16xi32>], vector<16xi32>, vector<16xi1>
        %mul3A_164 = arith.constant 16 : i32
        %mul3A_165 = arith.muli %scan3A_86, %mul3A_164 : i32
        %get3A_166 = arith.constant 2 : i32
        %get3A_167 = arith.index_cast %get3A_166 : i32 to index
        %get3A_168 = arith.index_cast %mul3A_165 : i32 to index
        %get3A_169 = tpu.vector_load %arg5[%get3A_167, %get3A_168] {strides = array<i32>} : memref<21x1024xf32, #tpu.memory_space<vmem>>, vector<16xf32>,
        %eq3A_170 = arith.constant 2 : i32
        %eq3A_171 = vector.broadcast %eq3A_170 : i32 to vector<16xi32>
        %eq3A_172 = arith.cmpi eq, %get3A_90, %eq3A_171 : vector<16xi32>
        %mul3A_173 = arith.constant 5.120000e+02 : f32
        %mul3A_174 = vector.broadcast %mul3A_173 : f32 to vector<16xf32>
        %mul3A_175 = arith.mulf %get3A_169, %mul3A_174 : vector<16xf32>
        %add3A_176 = arith.constant 5.120000e+02 : f32
        %add3A_177 = vector.broadcast %add3A_176 : f32 to vector<16xf32>
        %add3A_178 = arith.addf %mul3A_175, %add3A_177 : vector<16xf32>
        %sub3A_179 = arith.constant 1.024000e+03 : f32
        %sub3A_180 = vector.broadcast %sub3A_179 : f32 to vector<16xf32>
        %sub3A_181 = arith.subf %sub3A_180, %add3A_178 : vector<16xf32>
        %select_n3A_182 = arith.select %eq3A_172, %sub3A_181, %add3A_178 : vector<16xi1>, vector<16xf32>
        %gt3A_183 = arith.constant 0.000000e+00 : f32
        %gt3A_184 = vector.broadcast %gt3A_183 : f32 to vector<16xf32>
        %gt3A_185 = arith.cmpf ogt, %select_n3A_182, %gt3A_184 : vector<16xf32>
        %min3A_186 = arith.constant 4.095000e+03 : f32
        %min3A_187 = vector.broadcast %min3A_186 : f32 to vector<16xf32>
        %min3A_188 = arith.minimumf %select_n3A_182, %min3A_187 : vector<16xf32>
        %convert_element_type3A_189 = arith.fptosi %min3A_188 : vector<16xf32> to vector<16xi32>
        %max3A_190 = arith.constant 0 : i32
        %max3A_191 = vector.broadcast %max3A_190 : i32 to vector<16xi32>
        %max3A_192 = arith.maxsi %convert_element_type3A_189, %max3A_191 : vector<16xi32>
        %mul3A_193 = arith.constant 16 : i32
        %mul3A_194 = vector.broadcast %mul3A_193 : i32 to vector<16xi32>
        %mul3A_195 = arith.muli %max3A_192, %mul3A_194 : vector<16xi32>
        %add3A_196 = arith.addi %mul3A_195, %iota3A : vector<16xi32>
        %jit3A_197 = arith.constant 65536 : i32
        %jit3A_198 = arith.constant 1 : i32
        %broadcast_in_dim3A_199 = vector.broadcast %jit3A_197 : i32 to vector<16xi32>
        %broadcast_in_dim3A_200 = vector.broadcast %jit3A_198 : i32 to vector<16xi32>
        %select_n3A_201 = arith.select %eq3A_172, %broadcast_in_dim3A_199, %broadcast_in_dim3A_200 : vector<16xi1>, vector<16xi32>
        tpu.vector_store_idx %arg7[%add3A_196], %select_n3A_201 masked %gt3A_185 {add = true} : memref<65536xi32, #tpu.memory_space<vmem>>[vector<16xi32>], vector<16xi32>, vector<16xi1>
        %mul3A_202 = arith.constant 16 : i32
        %mul3A_203 = arith.muli %scan3A_86, %mul3A_202 : i32
        %get3A_204 = arith.constant 3 : i32
        %get3A_205 = arith.index_cast %get3A_204 : i32 to index
        %get3A_206 = arith.index_cast %mul3A_203 : i32 to index
        %get3A_207 = tpu.vector_load %arg5[%get3A_205, %get3A_206] {strides = array<i32>} : memref<21x1024xf32, #tpu.memory_space<vmem>>, vector<16xf32>,
        %eq3A_208 = arith.constant 3 : i32
        %eq3A_209 = vector.broadcast %eq3A_208 : i32 to vector<16xi32>
        %eq3A_210 = arith.cmpi eq, %get3A_90, %eq3A_209 : vector<16xi32>
        %mul3A_211 = arith.constant 5.120000e+02 : f32
        %mul3A_212 = vector.broadcast %mul3A_211 : f32 to vector<16xf32>
        %mul3A_213 = arith.mulf %get3A_207, %mul3A_212 : vector<16xf32>
        %add3A_214 = arith.constant 5.120000e+02 : f32
        %add3A_215 = vector.broadcast %add3A_214 : f32 to vector<16xf32>
        %add3A_216 = arith.addf %mul3A_213, %add3A_215 : vector<16xf32>
        %sub3A_217 = arith.constant 1.024000e+03 : f32
        %sub3A_218 = vector.broadcast %sub3A_217 : f32 to vector<16xf32>
        %sub3A_219 = arith.subf %sub3A_218, %add3A_216 : vector<16xf32>
        %select_n3A_220 = arith.select %eq3A_210, %sub3A_219, %add3A_216 : vector<16xi1>, vector<16xf32>
        %gt3A_221 = arith.constant 0.000000e+00 : f32
        %gt3A_222 = vector.broadcast %gt3A_221 : f32 to vector<16xf32>
        %gt3A_223 = arith.cmpf ogt, %select_n3A_220, %gt3A_222 : vector<16xf32>
        %min3A_224 = arith.constant 4.095000e+03 : f32
        %min3A_225 = vector.broadcast %min3A_224 : f32 to vector<16xf32>
        %min3A_226 = arith.minimumf %select_n3A_220, %min3A_225 : vector<16xf32>
        %convert_element_type3A_227 = arith.fptosi %min3A_226 : vector<16xf32> to vector<16xi32>
        %max3A_228 = arith.constant 0 : i32
        %max3A_229 = vector.broadcast %max3A_228 : i32 to vector<16xi32>
        %max3A_230 = arith.maxsi %convert_element_type3A_227, %max3A_229 : vector<16xi32>
        %mul3A_231 = arith.constant 16 : i32
        %mul3A_232 = vector.broadcast %mul3A_231 : i32 to vector<16xi32>
        %mul3A_233 = arith.muli %max3A_230, %mul3A_232 : vector<16xi32>
        %add3A_234 = arith.addi %mul3A_233, %iota3A : vector<16xi32>
        %jit3A_235 = arith.constant 65536 : i32
        %jit3A_236 = arith.constant 1 : i32
        %broadcast_in_dim3A_237 = vector.broadcast %jit3A_235 : i32 to vector<16xi32>
        %broadcast_in_dim3A_238 = vector.broadcast %jit3A_236 : i32 to vector<16xi32>
        %select_n3A_239 = arith.select %eq3A_210, %broadcast_in_dim3A_237, %broadcast_in_dim3A_238 : vector<16xi1>, vector<16xi32>
        tpu.vector_store_idx %arg7[%add3A_234], %select_n3A_239 masked %gt3A_223 {add = true} : memref<65536xi32, #tpu.memory_space<vmem>>[vector<16xi32>], vector<16xi32>, vector<16xi1>
        %mul3A_240 = arith.constant 16 : i32
        %mul3A_241 = arith.muli %scan3A_86, %mul3A_240 : i32
        %get3A_242 = arith.constant 4 : i32
        %get3A_243 = arith.index_cast %get3A_242 : i32 to index
        %get3A_244 = arith.index_cast %mul3A_241 : i32 to index
        %get3A_245 = tpu.vector_load %arg5[%get3A_243, %get3A_244] {strides = array<i32>} : memref<21x1024xf32, #tpu.memory_space<vmem>>, vector<16xf32>,
        %eq3A_246 = arith.constant 4 : i32
        %eq3A_247 = vector.broadcast %eq3A_246 : i32 to vector<16xi32>
        %eq3A_248 = arith.cmpi eq, %get3A_90, %eq3A_247 : vector<16xi32>
        %mul3A_249 = arith.constant 5.120000e+02 : f32
        %mul3A_250 = vector.broadcast %mul3A_249 : f32 to vector<16xf32>
        %mul3A_251 = arith.mulf %get3A_245, %mul3A_250 : vector<16xf32>
        %add3A_252 = arith.constant 5.120000e+02 : f32
        %add3A_253 = vector.broadcast %add3A_252 : f32 to vector<16xf32>
        %add3A_254 = arith.addf %mul3A_251, %add3A_253 : vector<16xf32>
        %sub3A_255 = arith.constant 1.024000e+03 : f32
        %sub3A_256 = vector.broadcast %sub3A_255 : f32 to vector<16xf32>
        %sub3A_257 = arith.subf %sub3A_256, %add3A_254 : vector<16xf32>
        %select_n3A_258 = arith.select %eq3A_248, %sub3A_257, %add3A_254 : vector<16xi1>, vector<16xf32>
        %gt3A_259 = arith.constant 0.000000e+00 : f32
        %gt3A_260 = vector.broadcast %gt3A_259 : f32 to vector<16xf32>
        %gt3A_261 = arith.cmpf ogt, %select_n3A_258, %gt3A_260 : vector<16xf32>
        %min3A_262 = arith.constant 4.095000e+03 : f32
        %min3A_263 = vector.broadcast %min3A_262 : f32 to vector<16xf32>
        %min3A_264 = arith.minimumf %select_n3A_258, %min3A_263 : vector<16xf32>
        %convert_element_type3A_265 = arith.fptosi %min3A_264 : vector<16xf32> to vector<16xi32>
        %max3A_266 = arith.constant 0 : i32
        %max3A_267 = vector.broadcast %max3A_266 : i32 to vector<16xi32>
        %max3A_268 = arith.maxsi %convert_element_type3A_265, %max3A_267 : vector<16xi32>
        %mul3A_269 = arith.constant 16 : i32
        %mul3A_270 = vector.broadcast %mul3A_269 : i32 to vector<16xi32>
        %mul3A_271 = arith.muli %max3A_268, %mul3A_270 : vector<16xi32>
        %add3A_272 = arith.addi %mul3A_271, %iota3A : vector<16xi32>
        %jit3A_273 = arith.constant 65536 : i32
        %jit3A_274 = arith.constant 1 : i32
        %broadcast_in_dim3A_275 = vector.broadcast %jit3A_273 : i32 to vector<16xi32>
        %broadcast_in_dim3A_276 = vector.broadcast %jit3A_274 : i32 to vector<16xi32>
        %select_n3A_277 = arith.select %eq3A_248, %broadcast_in_dim3A_275, %broadcast_in_dim3A_276 : vector<16xi1>, vector<16xi32>
        tpu.vector_store_idx %arg7[%add3A_272], %select_n3A_277 masked %gt3A_261 {add = true} : memref<65536xi32, #tpu.memory_space<vmem>>[vector<16xi32>], vector<16xi32>, vector<16xi1>
        %mul3A_278 = arith.constant 16 : i32
        %mul3A_279 = arith.muli %scan3A_86, %mul3A_278 : i32
        %get3A_280 = arith.constant 5 : i32
        %get3A_281 = arith.index_cast %get3A_280 : i32 to index
        %get3A_282 = arith.index_cast %mul3A_279 : i32 to index
        %get3A_283 = tpu.vector_load %arg5[%get3A_281, %get3A_282] {strides = array<i32>} : memref<21x1024xf32, #tpu.memory_space<vmem>>, vector<16xf32>,
        %eq3A_284 = arith.constant 5 : i32
        %eq3A_285 = vector.broadcast %eq3A_284 : i32 to vector<16xi32>
        %eq3A_286 = arith.cmpi eq, %get3A_90, %eq3A_285 : vector<16xi32>
        %mul3A_287 = arith.constant 5.120000e+02 : f32
        %mul3A_288 = vector.broadcast %mul3A_287 : f32 to vector<16xf32>
        %mul3A_289 = arith.mulf %get3A_283, %mul3A_288 : vector<16xf32>
        %add3A_290 = arith.constant 5.120000e+02 : f32
        %add3A_291 = vector.broadcast %add3A_290 : f32 to vector<16xf32>
        %add3A_292 = arith.addf %mul3A_289, %add3A_291 : vector<16xf32>
        %sub3A_293 = arith.constant 1.024000e+03 : f32
        %sub3A_294 = vector.broadcast %sub3A_293 : f32 to vector<16xf32>
        %sub3A_295 = arith.subf %sub3A_294, %add3A_292 : vector<16xf32>
        %select_n3A_296 = arith.select %eq3A_286, %sub3A_295, %add3A_292 : vector<16xi1>, vector<16xf32>
        %gt3A_297 = arith.constant 0.000000e+00 : f32
        %gt3A_298 = vector.broadcast %gt3A_297 : f32 to vector<16xf32>
        %gt3A_299 = arith.cmpf ogt, %select_n3A_296, %gt3A_298 : vector<16xf32>
        %min3A_300 = arith.constant 4.095000e+03 : f32
        %min3A_301 = vector.broadcast %min3A_300 : f32 to vector<16xf32>
        %min3A_302 = arith.minimumf %select_n3A_296, %min3A_301 : vector<16xf32>
        %convert_element_type3A_303 = arith.fptosi %min3A_302 : vector<16xf32> to vector<16xi32>
        %max3A_304 = arith.constant 0 : i32
        %max3A_305 = vector.broadcast %max3A_304 : i32 to vector<16xi32>
        %max3A_306 = arith.maxsi %convert_element_type3A_303, %max3A_305 : vector<16xi32>
        %mul3A_307 = arith.constant 16 : i32
        %mul3A_308 = vector.broadcast %mul3A_307 : i32 to vector<16xi32>
        %mul3A_309 = arith.muli %max3A_306, %mul3A_308 : vector<16xi32>
        %add3A_310 = arith.addi %mul3A_309, %iota3A : vector<16xi32>
        %jit3A_311 = arith.constant 65536 : i32
        %jit3A_312 = arith.constant 1 : i32
        %broadcast_in_dim3A_313 = vector.broadcast %jit3A_311 : i32 to vector<16xi32>
        %broadcast_in_dim3A_314 = vector.broadcast %jit3A_312 : i32 to vector<16xi32>
        %select_n3A_315 = arith.select %eq3A_286, %broadcast_in_dim3A_313, %broadcast_in_dim3A_314 : vector<16xi1>, vector<16xi32>
        tpu.vector_store_idx %arg7[%add3A_310], %select_n3A_315 masked %gt3A_299 {add = true} : memref<65536xi32, #tpu.memory_space<vmem>>[vector<16xi32>], vector<16xi32>, vector<16xi1>
        %mul3A_316 = arith.constant 16 : i32
        %mul3A_317 = arith.muli %scan3A_86, %mul3A_316 : i32
        %get3A_318 = arith.constant 6 : i32
        %get3A_319 = arith.index_cast %get3A_318 : i32 to index
        %get3A_320 = arith.index_cast %mul3A_317 : i32 to index
        %get3A_321 = tpu.vector_load %arg5[%get3A_319, %get3A_320] {strides = array<i32>} : memref<21x1024xf32, #tpu.memory_space<vmem>>, vector<16xf32>,
        %eq3A_322 = arith.constant 6 : i32
        %eq3A_323 = vector.broadcast %eq3A_322 : i32 to vector<16xi32>
        %eq3A_324 = arith.cmpi eq, %get3A_90, %eq3A_323 : vector<16xi32>
        %mul3A_325 = arith.constant 5.120000e+02 : f32
        %mul3A_326 = vector.broadcast %mul3A_325 : f32 to vector<16xf32>
        %mul3A_327 = arith.mulf %get3A_321, %mul3A_326 : vector<16xf32>
        %add3A_328 = arith.constant 5.120000e+02 : f32
        %add3A_329 = vector.broadcast %add3A_328 : f32 to vector<16xf32>
        %add3A_330 = arith.addf %mul3A_327, %add3A_329 : vector<16xf32>
        %sub3A_331 = arith.constant 1.024000e+03 : f32
        %sub3A_332 = vector.broadcast %sub3A_331 : f32 to vector<16xf32>
        %sub3A_333 = arith.subf %sub3A_332, %add3A_330 : vector<16xf32>
        %select_n3A_334 = arith.select %eq3A_324, %sub3A_333, %add3A_330 : vector<16xi1>, vector<16xf32>
        %gt3A_335 = arith.constant 0.000000e+00 : f32
        %gt3A_336 = vector.broadcast %gt3A_335 : f32 to vector<16xf32>
        %gt3A_337 = arith.cmpf ogt, %select_n3A_334, %gt3A_336 : vector<16xf32>
        %min3A_338 = arith.constant 4.095000e+03 : f32
        %min3A_339 = vector.broadcast %min3A_338 : f32 to vector<16xf32>
        %min3A_340 = arith.minimumf %select_n3A_334, %min3A_339 : vector<16xf32>
        %convert_element_type3A_341 = arith.fptosi %min3A_340 : vector<16xf32> to vector<16xi32>
        %max3A_342 = arith.constant 0 : i32
        %max3A_343 = vector.broadcast %max3A_342 : i32 to vector<16xi32>
        %max3A_344 = arith.maxsi %convert_element_type3A_341, %max3A_343 : vector<16xi32>
        %mul3A_345 = arith.constant 16 : i32
        %mul3A_346 = vector.broadcast %mul3A_345 : i32 to vector<16xi32>
        %mul3A_347 = arith.muli %max3A_344, %mul3A_346 : vector<16xi32>
        %add3A_348 = arith.addi %mul3A_347, %iota3A : vector<16xi32>
        %jit3A_349 = arith.constant 65536 : i32
        %jit3A_350 = arith.constant 1 : i32
        %broadcast_in_dim3A_351 = vector.broadcast %jit3A_349 : i32 to vector<16xi32>
        %broadcast_in_dim3A_352 = vector.broadcast %jit3A_350 : i32 to vector<16xi32>
        %select_n3A_353 = arith.select %eq3A_324, %broadcast_in_dim3A_351, %broadcast_in_dim3A_352 : vector<16xi1>, vector<16xi32>
        tpu.vector_store_idx %arg7[%add3A_348], %select_n3A_353 masked %gt3A_337 {add = true} : memref<65536xi32, #tpu.memory_space<vmem>>[vector<16xi32>], vector<16xi32>, vector<16xi1>
        %mul3A_354 = arith.constant 16 : i32
        %mul3A_355 = arith.muli %scan3A_86, %mul3A_354 : i32
        %get3A_356 = arith.constant 7 : i32
        %get3A_357 = arith.index_cast %get3A_356 : i32 to index
        %get3A_358 = arith.index_cast %mul3A_355 : i32 to index
        %get3A_359 = tpu.vector_load %arg5[%get3A_357, %get3A_358] {strides = array<i32>} : memref<21x1024xf32, #tpu.memory_space<vmem>>, vector<16xf32>,
        %eq3A_360 = arith.constant 7 : i32
        %eq3A_361 = vector.broadcast %eq3A_360 : i32 to vector<16xi32>
        %eq3A_362 = arith.cmpi eq, %get3A_90, %eq3A_361 : vector<16xi32>
        %mul3A_363 = arith.constant 5.120000e+02 : f32
        %mul3A_364 = vector.broadcast %mul3A_363 : f32 to vector<16xf32>
        %mul3A_365 = arith.mulf %get3A_359, %mul3A_364 : vector<16xf32>
        %add3A_366 = arith.constant 5.120000e+02 : f32
        %add3A_367 = vector.broadcast %add3A_366 : f32 to vector<16xf32>
        %add3A_368 = arith.addf %mul3A_365, %add3A_367 : vector<16xf32>
        %sub3A_369 = arith.constant 1.024000e+03 : f32
        %sub3A_370 = vector.broadcast %sub3A_369 : f32 to vector<16xf32>
        %sub3A_371 = arith.subf %sub3A_370, %add3A_368 : vector<16xf32>
        %select_n3A_372 = arith.select %eq3A_362, %sub3A_371, %add3A_368 : vector<16xi1>, vector<16xf32>
        %gt3A_373 = arith.constant 0.000000e+00 : f32
        %gt3A_374 = vector.broadcast %gt3A_373 : f32 to vector<16xf32>
        %gt3A_375 = arith.cmpf ogt, %select_n3A_372, %gt3A_374 : vector<16xf32>
        %min3A_376 = arith.constant 4.095000e+03 : f32
        %min3A_377 = vector.broadcast %min3A_376 : f32 to vector<16xf32>
        %min3A_378 = arith.minimumf %select_n3A_372, %min3A_377 : vector<16xf32>
        %convert_element_type3A_379 = arith.fptosi %min3A_378 : vector<16xf32> to vector<16xi32>
        %max3A_380 = arith.constant 0 : i32
        %max3A_381 = vector.broadcast %max3A_380 : i32 to vector<16xi32>
        %max3A_382 = arith.maxsi %convert_element_type3A_379, %max3A_381 : vector<16xi32>
        %mul3A_383 = arith.constant 16 : i32
        %mul3A_384 = vector.broadcast %mul3A_383 : i32 to vector<16xi32>
        %mul3A_385 = arith.muli %max3A_382, %mul3A_384 : vector<16xi32>
        %add3A_386 = arith.addi %mul3A_385, %iota3A : vector<16xi32>
        %jit3A_387 = arith.constant 65536 : i32
        %jit3A_388 = arith.constant 1 : i32
        %broadcast_in_dim3A_389 = vector.broadcast %jit3A_387 : i32 to vector<16xi32>
        %broadcast_in_dim3A_390 = vector.broadcast %jit3A_388 : i32 to vector<16xi32>
        %select_n3A_391 = arith.select %eq3A_362, %broadcast_in_dim3A_389, %broadcast_in_dim3A_390 : vector<16xi1>, vector<16xi32>
        tpu.vector_store_idx %arg7[%add3A_386], %select_n3A_391 masked %gt3A_375 {add = true} : memref<65536xi32, #tpu.memory_space<vmem>>[vector<16xi32>], vector<16xi32>, vector<16xi1>
        %mul3A_392 = arith.constant 16 : i32
        %mul3A_393 = arith.muli %scan3A_86, %mul3A_392 : i32
        %get3A_394 = arith.constant 8 : i32
        %get3A_395 = arith.index_cast %get3A_394 : i32 to index
        %get3A_396 = arith.index_cast %mul3A_393 : i32 to index
        %get3A_397 = tpu.vector_load %arg5[%get3A_395, %get3A_396] {strides = array<i32>} : memref<21x1024xf32, #tpu.memory_space<vmem>>, vector<16xf32>,
        %eq3A_398 = arith.constant 8 : i32
        %eq3A_399 = vector.broadcast %eq3A_398 : i32 to vector<16xi32>
        %eq3A_400 = arith.cmpi eq, %get3A_90, %eq3A_399 : vector<16xi32>
        %mul3A_401 = arith.constant 5.120000e+02 : f32
        %mul3A_402 = vector.broadcast %mul3A_401 : f32 to vector<16xf32>
        %mul3A_403 = arith.mulf %get3A_397, %mul3A_402 : vector<16xf32>
        %add3A_404 = arith.constant 5.120000e+02 : f32
        %add3A_405 = vector.broadcast %add3A_404 : f32 to vector<16xf32>
        %add3A_406 = arith.addf %mul3A_403, %add3A_405 : vector<16xf32>
        %sub3A_407 = arith.constant 1.024000e+03 : f32
        %sub3A_408 = vector.broadcast %sub3A_407 : f32 to vector<16xf32>
        %sub3A_409 = arith.subf %sub3A_408, %add3A_406 : vector<16xf32>
        %select_n3A_410 = arith.select %eq3A_400, %sub3A_409, %add3A_406 : vector<16xi1>, vector<16xf32>
        %gt3A_411 = arith.constant 0.000000e+00 : f32
        %gt3A_412 = vector.broadcast %gt3A_411 : f32 to vector<16xf32>
        %gt3A_413 = arith.cmpf ogt, %select_n3A_410, %gt3A_412 : vector<16xf32>
        %min3A_414 = arith.constant 4.095000e+03 : f32
        %min3A_415 = vector.broadcast %min3A_414 : f32 to vector<16xf32>
        %min3A_416 = arith.minimumf %select_n3A_410, %min3A_415 : vector<16xf32>
        %convert_element_type3A_417 = arith.fptosi %min3A_416 : vector<16xf32> to vector<16xi32>
        %max3A_418 = arith.constant 0 : i32
        %max3A_419 = vector.broadcast %max3A_418 : i32 to vector<16xi32>
        %max3A_420 = arith.maxsi %convert_element_type3A_417, %max3A_419 : vector<16xi32>
        %mul3A_421 = arith.constant 16 : i32
        %mul3A_422 = vector.broadcast %mul3A_421 : i32 to vector<16xi32>
        %mul3A_423 = arith.muli %max3A_420, %mul3A_422 : vector<16xi32>
        %add3A_424 = arith.addi %mul3A_423, %iota3A : vector<16xi32>
        %jit3A_425 = arith.constant 65536 : i32
        %jit3A_426 = arith.constant 1 : i32
        %broadcast_in_dim3A_427 = vector.broadcast %jit3A_425 : i32 to vector<16xi32>
        %broadcast_in_dim3A_428 = vector.broadcast %jit3A_426 : i32 to vector<16xi32>
        %select_n3A_429 = arith.select %eq3A_400, %broadcast_in_dim3A_427, %broadcast_in_dim3A_428 : vector<16xi1>, vector<16xi32>
        tpu.vector_store_idx %arg7[%add3A_424], %select_n3A_429 masked %gt3A_413 {add = true} : memref<65536xi32, #tpu.memory_space<vmem>>[vector<16xi32>], vector<16xi32>, vector<16xi1>
        %mul3A_430 = arith.constant 16 : i32
        %mul3A_431 = arith.muli %scan3A_86, %mul3A_430 : i32
        %get3A_432 = arith.constant 9 : i32
        %get3A_433 = arith.index_cast %get3A_432 : i32 to index
        %get3A_434 = arith.index_cast %mul3A_431 : i32 to index
        %get3A_435 = tpu.vector_load %arg5[%get3A_433, %get3A_434] {strides = array<i32>} : memref<21x1024xf32, #tpu.memory_space<vmem>>, vector<16xf32>,
        %eq3A_436 = arith.constant 9 : i32
        %eq3A_437 = vector.broadcast %eq3A_436 : i32 to vector<16xi32>
        %eq3A_438 = arith.cmpi eq, %get3A_90, %eq3A_437 : vector<16xi32>
        %mul3A_439 = arith.constant 5.120000e+02 : f32
        %mul3A_440 = vector.broadcast %mul3A_439 : f32 to vector<16xf32>
        %mul3A_441 = arith.mulf %get3A_435, %mul3A_440 : vector<16xf32>
        %add3A_442 = arith.constant 5.120000e+02 : f32
        %add3A_443 = vector.broadcast %add3A_442 : f32 to vector<16xf32>
        %add3A_444 = arith.addf %mul3A_441, %add3A_443 : vector<16xf32>
        %sub3A_445 = arith.constant 1.024000e+03 : f32
        %sub3A_446 = vector.broadcast %sub3A_445 : f32 to vector<16xf32>
        %sub3A_447 = arith.subf %sub3A_446, %add3A_444 : vector<16xf32>
        %select_n3A_448 = arith.select %eq3A_438, %sub3A_447, %add3A_444 : vector<16xi1>, vector<16xf32>
        %gt3A_449 = arith.constant 0.000000e+00 : f32
        %gt3A_450 = vector.broadcast %gt3A_449 : f32 to vector<16xf32>
        %gt3A_451 = arith.cmpf ogt, %select_n3A_448, %gt3A_450 : vector<16xf32>
        %min3A_452 = arith.constant 4.095000e+03 : f32
        %min3A_453 = vector.broadcast %min3A_452 : f32 to vector<16xf32>
        %min3A_454 = arith.minimumf %select_n3A_448, %min3A_453 : vector<16xf32>
        %convert_element_type3A_455 = arith.fptosi %min3A_454 : vector<16xf32> to vector<16xi32>
        %max3A_456 = arith.constant 0 : i32
        %max3A_457 = vector.broadcast %max3A_456 : i32 to vector<16xi32>
        %max3A_458 = arith.maxsi %convert_element_type3A_455, %max3A_457 : vector<16xi32>
        %mul3A_459 = arith.constant 16 : i32
        %mul3A_460 = vector.broadcast %mul3A_459 : i32 to vector<16xi32>
        %mul3A_461 = arith.muli %max3A_458, %mul3A_460 : vector<16xi32>
        %add3A_462 = arith.addi %mul3A_461, %iota3A : vector<16xi32>
        %jit3A_463 = arith.constant 65536 : i32
        %jit3A_464 = arith.constant 1 : i32
        %broadcast_in_dim3A_465 = vector.broadcast %jit3A_463 : i32 to vector<16xi32>
        %broadcast_in_dim3A_466 = vector.broadcast %jit3A_464 : i32 to vector<16xi32>
        %select_n3A_467 = arith.select %eq3A_438, %broadcast_in_dim3A_465, %broadcast_in_dim3A_466 : vector<16xi1>, vector<16xi32>
        tpu.vector_store_idx %arg7[%add3A_462], %select_n3A_467 masked %gt3A_451 {add = true} : memref<65536xi32, #tpu.memory_space<vmem>>[vector<16xi32>], vector<16xi32>, vector<16xi1>
        %mul3A_468 = arith.constant 16 : i32
        %mul3A_469 = arith.muli %scan3A_86, %mul3A_468 : i32
        %get3A_470 = arith.constant 10 : i32
        %get3A_471 = arith.index_cast %get3A_470 : i32 to index
        %get3A_472 = arith.index_cast %mul3A_469 : i32 to index
        %get3A_473 = tpu.vector_load %arg5[%get3A_471, %get3A_472] {strides = array<i32>} : memref<21x1024xf32, #tpu.memory_space<vmem>>, vector<16xf32>,
        %eq3A_474 = arith.constant 10 : i32
        %eq3A_475 = vector.broadcast %eq3A_474 : i32 to vector<16xi32>
        %eq3A_476 = arith.cmpi eq, %get3A_90, %eq3A_475 : vector<16xi32>
        %mul3A_477 = arith.constant 5.120000e+02 : f32
        %mul3A_478 = vector.broadcast %mul3A_477 : f32 to vector<16xf32>
        %mul3A_479 = arith.mulf %get3A_473, %mul3A_478 : vector<16xf32>
        %add3A_480 = arith.constant 5.120000e+02 : f32
        %add3A_481 = vector.broadcast %add3A_480 : f32 to vector<16xf32>
        %add3A_482 = arith.addf %mul3A_479, %add3A_481 : vector<16xf32>
        %sub3A_483 = arith.constant 1.024000e+03 : f32
        %sub3A_484 = vector.broadcast %sub3A_483 : f32 to vector<16xf32>
        %sub3A_485 = arith.subf %sub3A_484, %add3A_482 : vector<16xf32>
        %select_n3A_486 = arith.select %eq3A_476, %sub3A_485, %add3A_482 : vector<16xi1>, vector<16xf32>
        %gt3A_487 = arith.constant 0.000000e+00 : f32
        %gt3A_488 = vector.broadcast %gt3A_487 : f32 to vector<16xf32>
        %gt3A_489 = arith.cmpf ogt, %select_n3A_486, %gt3A_488 : vector<16xf32>
        %min3A_490 = arith.constant 4.095000e+03 : f32
        %min3A_491 = vector.broadcast %min3A_490 : f32 to vector<16xf32>
        %min3A_492 = arith.minimumf %select_n3A_486, %min3A_491 : vector<16xf32>
        %convert_element_type3A_493 = arith.fptosi %min3A_492 : vector<16xf32> to vector<16xi32>
        %max3A_494 = arith.constant 0 : i32
        %max3A_495 = vector.broadcast %max3A_494 : i32 to vector<16xi32>
        %max3A_496 = arith.maxsi %convert_element_type3A_493, %max3A_495 : vector<16xi32>
        %mul3A_497 = arith.constant 16 : i32
        %mul3A_498 = vector.broadcast %mul3A_497 : i32 to vector<16xi32>
        %mul3A_499 = arith.muli %max3A_496, %mul3A_498 : vector<16xi32>
        %add3A_500 = arith.addi %mul3A_499, %iota3A : vector<16xi32>
        %jit3A_501 = arith.constant 65536 : i32
        %jit3A_502 = arith.constant 1 : i32
        %broadcast_in_dim3A_503 = vector.broadcast %jit3A_501 : i32 to vector<16xi32>
        %broadcast_in_dim3A_504 = vector.broadcast %jit3A_502 : i32 to vector<16xi32>
        %select_n3A_505 = arith.select %eq3A_476, %broadcast_in_dim3A_503, %broadcast_in_dim3A_504 : vector<16xi1>, vector<16xi32>
        tpu.vector_store_idx %arg7[%add3A_500], %select_n3A_505 masked %gt3A_489 {add = true} : memref<65536xi32, #tpu.memory_space<vmem>>[vector<16xi32>], vector<16xi32>, vector<16xi1>
        %mul3A_506 = arith.constant 16 : i32
        %mul3A_507 = arith.muli %scan3A_86, %mul3A_506 : i32
        %get3A_508 = arith.constant 11 : i32
        %get3A_509 = arith.index_cast %get3A_508 : i32 to index
        %get3A_510 = arith.index_cast %mul3A_507 : i32 to index
        %get3A_511 = tpu.vector_load %arg5[%get3A_509, %get3A_510] {strides = array<i32>} : memref<21x1024xf32, #tpu.memory_space<vmem>>, vector<16xf32>,
        %eq3A_512 = arith.constant 11 : i32
        %eq3A_513 = vector.broadcast %eq3A_512 : i32 to vector<16xi32>
        %eq3A_514 = arith.cmpi eq, %get3A_90, %eq3A_513 : vector<16xi32>
        %mul3A_515 = arith.constant 5.120000e+02 : f32
        %mul3A_516 = vector.broadcast %mul3A_515 : f32 to vector<16xf32>
        %mul3A_517 = arith.mulf %get3A_511, %mul3A_516 : vector<16xf32>
        %add3A_518 = arith.constant 5.120000e+02 : f32
        %add3A_519 = vector.broadcast %add3A_518 : f32 to vector<16xf32>
        %add3A_520 = arith.addf %mul3A_517, %add3A_519 : vector<16xf32>
        %sub3A_521 = arith.constant 1.024000e+03 : f32
        %sub3A_522 = vector.broadcast %sub3A_521 : f32 to vector<16xf32>
        %sub3A_523 = arith.subf %sub3A_522, %add3A_520 : vector<16xf32>
        %select_n3A_524 = arith.select %eq3A_514, %sub3A_523, %add3A_520 : vector<16xi1>, vector<16xf32>
        %gt3A_525 = arith.constant 0.000000e+00 : f32
        %gt3A_526 = vector.broadcast %gt3A_525 : f32 to vector<16xf32>
        %gt3A_527 = arith.cmpf ogt, %select_n3A_524, %gt3A_526 : vector<16xf32>
        %min3A_528 = arith.constant 4.095000e+03 : f32
        %min3A_529 = vector.broadcast %min3A_528 : f32 to vector<16xf32>
        %min3A_530 = arith.minimumf %select_n3A_524, %min3A_529 : vector<16xf32>
        %convert_element_type3A_531 = arith.fptosi %min3A_530 : vector<16xf32> to vector<16xi32>
        %max3A_532 = arith.constant 0 : i32
        %max3A_533 = vector.broadcast %max3A_532 : i32 to vector<16xi32>
        %max3A_534 = arith.maxsi %convert_element_type3A_531, %max3A_533 : vector<16xi32>
        %mul3A_535 = arith.constant 16 : i32
        %mul3A_536 = vector.broadcast %mul3A_535 : i32 to vector<16xi32>
        %mul3A_537 = arith.muli %max3A_534, %mul3A_536 : vector<16xi32>
        %add3A_538 = arith.addi %mul3A_537, %iota3A : vector<16xi32>
        %jit3A_539 = arith.constant 65536 : i32
        %jit3A_540 = arith.constant 1 : i32
        %broadcast_in_dim3A_541 = vector.broadcast %jit3A_539 : i32 to vector<16xi32>
        %broadcast_in_dim3A_542 = vector.broadcast %jit3A_540 : i32 to vector<16xi32>
        %select_n3A_543 = arith.select %eq3A_514, %broadcast_in_dim3A_541, %broadcast_in_dim3A_542 : vector<16xi1>, vector<16xi32>
        tpu.vector_store_idx %arg7[%add3A_538], %select_n3A_543 masked %gt3A_527 {add = true} : memref<65536xi32, #tpu.memory_space<vmem>>[vector<16xi32>], vector<16xi32>, vector<16xi1>
        %mul3A_544 = arith.constant 16 : i32
        %mul3A_545 = arith.muli %scan3A_86, %mul3A_544 : i32
        %get3A_546 = arith.constant 12 : i32
        %get3A_547 = arith.index_cast %get3A_546 : i32 to index
        %get3A_548 = arith.index_cast %mul3A_545 : i32 to index
        %get3A_549 = tpu.vector_load %arg5[%get3A_547, %get3A_548] {strides = array<i32>} : memref<21x1024xf32, #tpu.memory_space<vmem>>, vector<16xf32>,
        %eq3A_550 = arith.constant 12 : i32
        %eq3A_551 = vector.broadcast %eq3A_550 : i32 to vector<16xi32>
        %eq3A_552 = arith.cmpi eq, %get3A_90, %eq3A_551 : vector<16xi32>
        %mul3A_553 = arith.constant 5.120000e+02 : f32
        %mul3A_554 = vector.broadcast %mul3A_553 : f32 to vector<16xf32>
        %mul3A_555 = arith.mulf %get3A_549, %mul3A_554 : vector<16xf32>
        %add3A_556 = arith.constant 5.120000e+02 : f32
        %add3A_557 = vector.broadcast %add3A_556 : f32 to vector<16xf32>
        %add3A_558 = arith.addf %mul3A_555, %add3A_557 : vector<16xf32>
        %sub3A_559 = arith.constant 1.024000e+03 : f32
        %sub3A_560 = vector.broadcast %sub3A_559 : f32 to vector<16xf32>
        %sub3A_561 = arith.subf %sub3A_560, %add3A_558 : vector<16xf32>
        %select_n3A_562 = arith.select %eq3A_552, %sub3A_561, %add3A_558 : vector<16xi1>, vector<16xf32>
        %gt3A_563 = arith.constant 0.000000e+00 : f32
        %gt3A_564 = vector.broadcast %gt3A_563 : f32 to vector<16xf32>
        %gt3A_565 = arith.cmpf ogt, %select_n3A_562, %gt3A_564 : vector<16xf32>
        %min3A_566 = arith.constant 4.095000e+03 : f32
        %min3A_567 = vector.broadcast %min3A_566 : f32 to vector<16xf32>
        %min3A_568 = arith.minimumf %select_n3A_562, %min3A_567 : vector<16xf32>
        %convert_element_type3A_569 = arith.fptosi %min3A_568 : vector<16xf32> to vector<16xi32>
        %max3A_570 = arith.constant 0 : i32
        %max3A_571 = vector.broadcast %max3A_570 : i32 to vector<16xi32>
        %max3A_572 = arith.maxsi %convert_element_type3A_569, %max3A_571 : vector<16xi32>
        %mul3A_573 = arith.constant 16 : i32
        %mul3A_574 = vector.broadcast %mul3A_573 : i32 to vector<16xi32>
        %mul3A_575 = arith.muli %max3A_572, %mul3A_574 : vector<16xi32>
        %add3A_576 = arith.addi %mul3A_575, %iota3A : vector<16xi32>
        %jit3A_577 = arith.constant 65536 : i32
        %jit3A_578 = arith.constant 1 : i32
        %broadcast_in_dim3A_579 = vector.broadcast %jit3A_577 : i32 to vector<16xi32>
        %broadcast_in_dim3A_580 = vector.broadcast %jit3A_578 : i32 to vector<16xi32>
        %select_n3A_581 = arith.select %eq3A_552, %broadcast_in_dim3A_579, %broadcast_in_dim3A_580 : vector<16xi1>, vector<16xi32>
        tpu.vector_store_idx %arg7[%add3A_576], %select_n3A_581 masked %gt3A_565 {add = true} : memref<65536xi32, #tpu.memory_space<vmem>>[vector<16xi32>], vector<16xi32>, vector<16xi1>
        %mul3A_582 = arith.constant 16 : i32
        %mul3A_583 = arith.muli %scan3A_86, %mul3A_582 : i32
        %get3A_584 = arith.constant 13 : i32
        %get3A_585 = arith.index_cast %get3A_584 : i32 to index
        %get3A_586 = arith.index_cast %mul3A_583 : i32 to index
        %get3A_587 = tpu.vector_load %arg5[%get3A_585, %get3A_586] {strides = array<i32>} : memref<21x1024xf32, #tpu.memory_space<vmem>>, vector<16xf32>,
        %eq3A_588 = arith.constant 13 : i32
        %eq3A_589 = vector.broadcast %eq3A_588 : i32 to vector<16xi32>
        %eq3A_590 = arith.cmpi eq, %get3A_90, %eq3A_589 : vector<16xi32>
        %mul3A_591 = arith.constant 5.120000e+02 : f32
        %mul3A_592 = vector.broadcast %mul3A_591 : f32 to vector<16xf32>
        %mul3A_593 = arith.mulf %get3A_587, %mul3A_592 : vector<16xf32>
        %add3A_594 = arith.constant 5.120000e+02 : f32
        %add3A_595 = vector.broadcast %add3A_594 : f32 to vector<16xf32>
        %add3A_596 = arith.addf %mul3A_593, %add3A_595 : vector<16xf32>
        %sub3A_597 = arith.constant 1.024000e+03 : f32
        %sub3A_598 = vector.broadcast %sub3A_597 : f32 to vector<16xf32>
        %sub3A_599 = arith.subf %sub3A_598, %add3A_596 : vector<16xf32>
        %select_n3A_600 = arith.select %eq3A_590, %sub3A_599, %add3A_596 : vector<16xi1>, vector<16xf32>
        %gt3A_601 = arith.constant 0.000000e+00 : f32
        %gt3A_602 = vector.broadcast %gt3A_601 : f32 to vector<16xf32>
        %gt3A_603 = arith.cmpf ogt, %select_n3A_600, %gt3A_602 : vector<16xf32>
        %min3A_604 = arith.constant 4.095000e+03 : f32
        %min3A_605 = vector.broadcast %min3A_604 : f32 to vector<16xf32>
        %min3A_606 = arith.minimumf %select_n3A_600, %min3A_605 : vector<16xf32>
        %convert_element_type3A_607 = arith.fptosi %min3A_606 : vector<16xf32> to vector<16xi32>
        %max3A_608 = arith.constant 0 : i32
        %max3A_609 = vector.broadcast %max3A_608 : i32 to vector<16xi32>
        %max3A_610 = arith.maxsi %convert_element_type3A_607, %max3A_609 : vector<16xi32>
        %mul3A_611 = arith.constant 16 : i32
        %mul3A_612 = vector.broadcast %mul3A_611 : i32 to vector<16xi32>
        %mul3A_613 = arith.muli %max3A_610, %mul3A_612 : vector<16xi32>
        %add3A_614 = arith.addi %mul3A_613, %iota3A : vector<16xi32>
        %jit3A_615 = arith.constant 65536 : i32
        %jit3A_616 = arith.constant 1 : i32
        %broadcast_in_dim3A_617 = vector.broadcast %jit3A_615 : i32 to vector<16xi32>
        %broadcast_in_dim3A_618 = vector.broadcast %jit3A_616 : i32 to vector<16xi32>
        %select_n3A_619 = arith.select %eq3A_590, %broadcast_in_dim3A_617, %broadcast_in_dim3A_618 : vector<16xi1>, vector<16xi32>
        tpu.vector_store_idx %arg7[%add3A_614], %select_n3A_619 masked %gt3A_603 {add = true} : memref<65536xi32, #tpu.memory_space<vmem>>[vector<16xi32>], vector<16xi32>, vector<16xi1>
        %mul3A_620 = arith.constant 16 : i32
        %mul3A_621 = arith.muli %scan3A_86, %mul3A_620 : i32
        %get3A_622 = arith.constant 14 : i32
        %get3A_623 = arith.index_cast %get3A_622 : i32 to index
        %get3A_624 = arith.index_cast %mul3A_621 : i32 to index
        %get3A_625 = tpu.vector_load %arg5[%get3A_623, %get3A_624] {strides = array<i32>} : memref<21x1024xf32, #tpu.memory_space<vmem>>, vector<16xf32>,
        %eq3A_626 = arith.constant 14 : i32
        %eq3A_627 = vector.broadcast %eq3A_626 : i32 to vector<16xi32>
        %eq3A_628 = arith.cmpi eq, %get3A_90, %eq3A_627 : vector<16xi32>
        %mul3A_629 = arith.constant 5.120000e+02 : f32
        %mul3A_630 = vector.broadcast %mul3A_629 : f32 to vector<16xf32>
        %mul3A_631 = arith.mulf %get3A_625, %mul3A_630 : vector<16xf32>
        %add3A_632 = arith.constant 5.120000e+02 : f32
        %add3A_633 = vector.broadcast %add3A_632 : f32 to vector<16xf32>
        %add3A_634 = arith.addf %mul3A_631, %add3A_633 : vector<16xf32>
        %sub3A_635 = arith.constant 1.024000e+03 : f32
        %sub3A_636 = vector.broadcast %sub3A_635 : f32 to vector<16xf32>
        %sub3A_637 = arith.subf %sub3A_636, %add3A_634 : vector<16xf32>
        %select_n3A_638 = arith.select %eq3A_628, %sub3A_637, %add3A_634 : vector<16xi1>, vector<16xf32>
        %gt3A_639 = arith.constant 0.000000e+00 : f32
        %gt3A_640 = vector.broadcast %gt3A_639 : f32 to vector<16xf32>
        %gt3A_641 = arith.cmpf ogt, %select_n3A_638, %gt3A_640 : vector<16xf32>
        %min3A_642 = arith.constant 4.095000e+03 : f32
        %min3A_643 = vector.broadcast %min3A_642 : f32 to vector<16xf32>
        %min3A_644 = arith.minimumf %select_n3A_638, %min3A_643 : vector<16xf32>
        %convert_element_type3A_645 = arith.fptosi %min3A_644 : vector<16xf32> to vector<16xi32>
        %max3A_646 = arith.constant 0 : i32
        %max3A_647 = vector.broadcast %max3A_646 : i32 to vector<16xi32>
        %max3A_648 = arith.maxsi %convert_element_type3A_645, %max3A_647 : vector<16xi32>
        %mul3A_649 = arith.constant 16 : i32
        %mul3A_650 = vector.broadcast %mul3A_649 : i32 to vector<16xi32>
        %mul3A_651 = arith.muli %max3A_648, %mul3A_650 : vector<16xi32>
        %add3A_652 = arith.addi %mul3A_651, %iota3A : vector<16xi32>
        %jit3A_653 = arith.constant 65536 : i32
        %jit3A_654 = arith.constant 1 : i32
        %broadcast_in_dim3A_655 = vector.broadcast %jit3A_653 : i32 to vector<16xi32>
        %broadcast_in_dim3A_656 = vector.broadcast %jit3A_654 : i32 to vector<16xi32>
        %select_n3A_657 = arith.select %eq3A_628, %broadcast_in_dim3A_655, %broadcast_in_dim3A_656 : vector<16xi1>, vector<16xi32>
        tpu.vector_store_idx %arg7[%add3A_652], %select_n3A_657 masked %gt3A_641 {add = true} : memref<65536xi32, #tpu.memory_space<vmem>>[vector<16xi32>], vector<16xi32>, vector<16xi1>
        %mul3A_658 = arith.constant 16 : i32
        %mul3A_659 = arith.muli %scan3A_86, %mul3A_658 : i32
        %get3A_660 = arith.constant 15 : i32
        %get3A_661 = arith.index_cast %get3A_660 : i32 to index
        %get3A_662 = arith.index_cast %mul3A_659 : i32 to index
        %get3A_663 = tpu.vector_load %arg5[%get3A_661, %get3A_662] {strides = array<i32>} : memref<21x1024xf32, #tpu.memory_space<vmem>>, vector<16xf32>,
        %eq3A_664 = arith.constant 15 : i32
        %eq3A_665 = vector.broadcast %eq3A_664 : i32 to vector<16xi32>
        %eq3A_666 = arith.cmpi eq, %get3A_90, %eq3A_665 : vector<16xi32>
        %mul3A_667 = arith.constant 5.120000e+02 : f32
        %mul3A_668 = vector.broadcast %mul3A_667 : f32 to vector<16xf32>
        %mul3A_669 = arith.mulf %get3A_663, %mul3A_668 : vector<16xf32>
        %add3A_670 = arith.constant 5.120000e+02 : f32
        %add3A_671 = vector.broadcast %add3A_670 : f32 to vector<16xf32>
        %add3A_672 = arith.addf %mul3A_669, %add3A_671 : vector<16xf32>
        %sub3A_673 = arith.constant 1.024000e+03 : f32
        %sub3A_674 = vector.broadcast %sub3A_673 : f32 to vector<16xf32>
        %sub3A_675 = arith.subf %sub3A_674, %add3A_672 : vector<16xf32>
        %select_n3A_676 = arith.select %eq3A_666, %sub3A_675, %add3A_672 : vector<16xi1>, vector<16xf32>
        %gt3A_677 = arith.constant 0.000000e+00 : f32
        %gt3A_678 = vector.broadcast %gt3A_677 : f32 to vector<16xf32>
        %gt3A_679 = arith.cmpf ogt, %select_n3A_676, %gt3A_678 : vector<16xf32>
        %min3A_680 = arith.constant 4.095000e+03 : f32
        %min3A_681 = vector.broadcast %min3A_680 : f32 to vector<16xf32>
        %min3A_682 = arith.minimumf %select_n3A_676, %min3A_681 : vector<16xf32>
        %convert_element_type3A_683 = arith.fptosi %min3A_682 : vector<16xf32> to vector<16xi32>
        %max3A_684 = arith.constant 0 : i32
        %max3A_685 = vector.broadcast %max3A_684 : i32 to vector<16xi32>
        %max3A_686 = arith.maxsi %convert_element_type3A_683, %max3A_685 : vector<16xi32>
        %mul3A_687 = arith.constant 16 : i32
        %mul3A_688 = vector.broadcast %mul3A_687 : i32 to vector<16xi32>
        %mul3A_689 = arith.muli %max3A_686, %mul3A_688 : vector<16xi32>
        %add3A_690 = arith.addi %mul3A_689, %iota3A : vector<16xi32>
        %jit3A_691 = arith.constant 65536 : i32
        %jit3A_692 = arith.constant 1 : i32
        %broadcast_in_dim3A_693 = vector.broadcast %jit3A_691 : i32 to vector<16xi32>
        %broadcast_in_dim3A_694 = vector.broadcast %jit3A_692 : i32 to vector<16xi32>
        %select_n3A_695 = arith.select %eq3A_666, %broadcast_in_dim3A_693, %broadcast_in_dim3A_694 : vector<16xi1>, vector<16xi32>
        tpu.vector_store_idx %arg7[%add3A_690], %select_n3A_695 masked %gt3A_679 {add = true} : memref<65536xi32, #tpu.memory_space<vmem>>[vector<16xi32>], vector<16xi32>, vector<16xi1>
        %mul3A_696 = arith.constant 16 : i32
        %mul3A_697 = arith.muli %scan3A_86, %mul3A_696 : i32
        %get3A_698 = arith.constant 16 : i32
        %get3A_699 = arith.index_cast %get3A_698 : i32 to index
        %get3A_700 = arith.index_cast %mul3A_697 : i32 to index
        %get3A_701 = tpu.vector_load %arg5[%get3A_699, %get3A_700] {strides = array<i32>} : memref<21x1024xf32, #tpu.memory_space<vmem>>, vector<16xf32>,
        %eq3A_702 = arith.constant 16 : i32
        %eq3A_703 = vector.broadcast %eq3A_702 : i32 to vector<16xi32>
        %eq3A_704 = arith.cmpi eq, %get3A_90, %eq3A_703 : vector<16xi32>
        %mul3A_705 = arith.constant 5.120000e+02 : f32
        %mul3A_706 = vector.broadcast %mul3A_705 : f32 to vector<16xf32>
        %mul3A_707 = arith.mulf %get3A_701, %mul3A_706 : vector<16xf32>
        %add3A_708 = arith.constant 5.120000e+02 : f32
        %add3A_709 = vector.broadcast %add3A_708 : f32 to vector<16xf32>
        %add3A_710 = arith.addf %mul3A_707, %add3A_709 : vector<16xf32>
        %sub3A_711 = arith.constant 1.024000e+03 : f32
        %sub3A_712 = vector.broadcast %sub3A_711 : f32 to vector<16xf32>
        %sub3A_713 = arith.subf %sub3A_712, %add3A_710 : vector<16xf32>
        %select_n3A_714 = arith.select %eq3A_704, %sub3A_713, %add3A_710 : vector<16xi1>, vector<16xf32>
        %gt3A_715 = arith.constant 0.000000e+00 : f32
        %gt3A_716 = vector.broadcast %gt3A_715 : f32 to vector<16xf32>
        %gt3A_717 = arith.cmpf ogt, %select_n3A_714, %gt3A_716 : vector<16xf32>
        %min3A_718 = arith.constant 4.095000e+03 : f32
        %min3A_719 = vector.broadcast %min3A_718 : f32 to vector<16xf32>
        %min3A_720 = arith.minimumf %select_n3A_714, %min3A_719 : vector<16xf32>
        %convert_element_type3A_721 = arith.fptosi %min3A_720 : vector<16xf32> to vector<16xi32>
        %max3A_722 = arith.constant 0 : i32
        %max3A_723 = vector.broadcast %max3A_722 : i32 to vector<16xi32>
        %max3A_724 = arith.maxsi %convert_element_type3A_721, %max3A_723 : vector<16xi32>
        %mul3A_725 = arith.constant 16 : i32
        %mul3A_726 = vector.broadcast %mul3A_725 : i32 to vector<16xi32>
        %mul3A_727 = arith.muli %max3A_724, %mul3A_726 : vector<16xi32>
        %add3A_728 = arith.addi %mul3A_727, %iota3A : vector<16xi32>
        %jit3A_729 = arith.constant 65536 : i32
        %jit3A_730 = arith.constant 1 : i32
        %broadcast_in_dim3A_731 = vector.broadcast %jit3A_729 : i32 to vector<16xi32>
        %broadcast_in_dim3A_732 = vector.broadcast %jit3A_730 : i32 to vector<16xi32>
        %select_n3A_733 = arith.select %eq3A_704, %broadcast_in_dim3A_731, %broadcast_in_dim3A_732 : vector<16xi1>, vector<16xi32>
        tpu.vector_store_idx %arg7[%add3A_728], %select_n3A_733 masked %gt3A_717 {add = true} : memref<65536xi32, #tpu.memory_space<vmem>>[vector<16xi32>], vector<16xi32>, vector<16xi1>
        %mul3A_734 = arith.constant 16 : i32
        %mul3A_735 = arith.muli %scan3A_86, %mul3A_734 : i32
        %get3A_736 = arith.constant 17 : i32
        %get3A_737 = arith.index_cast %get3A_736 : i32 to index
        %get3A_738 = arith.index_cast %mul3A_735 : i32 to index
        %get3A_739 = tpu.vector_load %arg5[%get3A_737, %get3A_738] {strides = array<i32>} : memref<21x1024xf32, #tpu.memory_space<vmem>>, vector<16xf32>,
        %eq3A_740 = arith.constant 17 : i32
        %eq3A_741 = vector.broadcast %eq3A_740 : i32 to vector<16xi32>
        %eq3A_742 = arith.cmpi eq, %get3A_90, %eq3A_741 : vector<16xi32>
        %mul3A_743 = arith.constant 5.120000e+02 : f32
        %mul3A_744 = vector.broadcast %mul3A_743 : f32 to vector<16xf32>
        %mul3A_745 = arith.mulf %get3A_739, %mul3A_744 : vector<16xf32>
        %add3A_746 = arith.constant 5.120000e+02 : f32
        %add3A_747 = vector.broadcast %add3A_746 : f32 to vector<16xf32>
        %add3A_748 = arith.addf %mul3A_745, %add3A_747 : vector<16xf32>
        %sub3A_749 = arith.constant 1.024000e+03 : f32
        %sub3A_750 = vector.broadcast %sub3A_749 : f32 to vector<16xf32>
        %sub3A_751 = arith.subf %sub3A_750, %add3A_748 : vector<16xf32>
        %select_n3A_752 = arith.select %eq3A_742, %sub3A_751, %add3A_748 : vector<16xi1>, vector<16xf32>
        %gt3A_753 = arith.constant 0.000000e+00 : f32
        %gt3A_754 = vector.broadcast %gt3A_753 : f32 to vector<16xf32>
        %gt3A_755 = arith.cmpf ogt, %select_n3A_752, %gt3A_754 : vector<16xf32>
        %min3A_756 = arith.constant 4.095000e+03 : f32
        %min3A_757 = vector.broadcast %min3A_756 : f32 to vector<16xf32>
        %min3A_758 = arith.minimumf %select_n3A_752, %min3A_757 : vector<16xf32>
        %convert_element_type3A_759 = arith.fptosi %min3A_758 : vector<16xf32> to vector<16xi32>
        %max3A_760 = arith.constant 0 : i32
        %max3A_761 = vector.broadcast %max3A_760 : i32 to vector<16xi32>
        %max3A_762 = arith.maxsi %convert_element_type3A_759, %max3A_761 : vector<16xi32>
        %mul3A_763 = arith.constant 16 : i32
        %mul3A_764 = vector.broadcast %mul3A_763 : i32 to vector<16xi32>
        %mul3A_765 = arith.muli %max3A_762, %mul3A_764 : vector<16xi32>
        %add3A_766 = arith.addi %mul3A_765, %iota3A : vector<16xi32>
        %jit3A_767 = arith.constant 65536 : i32
        %jit3A_768 = arith.constant 1 : i32
        %broadcast_in_dim3A_769 = vector.broadcast %jit3A_767 : i32 to vector<16xi32>
        %broadcast_in_dim3A_770 = vector.broadcast %jit3A_768 : i32 to vector<16xi32>
        %select_n3A_771 = arith.select %eq3A_742, %broadcast_in_dim3A_769, %broadcast_in_dim3A_770 : vector<16xi1>, vector<16xi32>
        tpu.vector_store_idx %arg7[%add3A_766], %select_n3A_771 masked %gt3A_755 {add = true} : memref<65536xi32, #tpu.memory_space<vmem>>[vector<16xi32>], vector<16xi32>, vector<16xi1>
        %mul3A_772 = arith.constant 16 : i32
        %mul3A_773 = arith.muli %scan3A_86, %mul3A_772 : i32
        %get3A_774 = arith.constant 18 : i32
        %get3A_775 = arith.index_cast %get3A_774 : i32 to index
        %get3A_776 = arith.index_cast %mul3A_773 : i32 to index
        %get3A_777 = tpu.vector_load %arg5[%get3A_775, %get3A_776] {strides = array<i32>} : memref<21x1024xf32, #tpu.memory_space<vmem>>, vector<16xf32>,
        %eq3A_778 = arith.constant 18 : i32
        %eq3A_779 = vector.broadcast %eq3A_778 : i32 to vector<16xi32>
        %eq3A_780 = arith.cmpi eq, %get3A_90, %eq3A_779 : vector<16xi32>
        %mul3A_781 = arith.constant 5.120000e+02 : f32
        %mul3A_782 = vector.broadcast %mul3A_781 : f32 to vector<16xf32>
        %mul3A_783 = arith.mulf %get3A_777, %mul3A_782 : vector<16xf32>
        %add3A_784 = arith.constant 5.120000e+02 : f32
        %add3A_785 = vector.broadcast %add3A_784 : f32 to vector<16xf32>
        %add3A_786 = arith.addf %mul3A_783, %add3A_785 : vector<16xf32>
        %sub3A_787 = arith.constant 1.024000e+03 : f32
        %sub3A_788 = vector.broadcast %sub3A_787 : f32 to vector<16xf32>
        %sub3A_789 = arith.subf %sub3A_788, %add3A_786 : vector<16xf32>
        %select_n3A_790 = arith.select %eq3A_780, %sub3A_789, %add3A_786 : vector<16xi1>, vector<16xf32>
        %gt3A_791 = arith.constant 0.000000e+00 : f32
        %gt3A_792 = vector.broadcast %gt3A_791 : f32 to vector<16xf32>
        %gt3A_793 = arith.cmpf ogt, %select_n3A_790, %gt3A_792 : vector<16xf32>
        %min3A_794 = arith.constant 4.095000e+03 : f32
        %min3A_795 = vector.broadcast %min3A_794 : f32 to vector<16xf32>
        %min3A_796 = arith.minimumf %select_n3A_790, %min3A_795 : vector<16xf32>
        %convert_element_type3A_797 = arith.fptosi %min3A_796 : vector<16xf32> to vector<16xi32>
        %max3A_798 = arith.constant 0 : i32
        %max3A_799 = vector.broadcast %max3A_798 : i32 to vector<16xi32>
        %max3A_800 = arith.maxsi %convert_element_type3A_797, %max3A_799 : vector<16xi32>
        %mul3A_801 = arith.constant 16 : i32
        %mul3A_802 = vector.broadcast %mul3A_801 : i32 to vector<16xi32>
        %mul3A_803 = arith.muli %max3A_800, %mul3A_802 : vector<16xi32>
        %add3A_804 = arith.addi %mul3A_803, %iota3A : vector<16xi32>
        %jit3A_805 = arith.constant 65536 : i32
        %jit3A_806 = arith.constant 1 : i32
        %broadcast_in_dim3A_807 = vector.broadcast %jit3A_805 : i32 to vector<16xi32>
        %broadcast_in_dim3A_808 = vector.broadcast %jit3A_806 : i32 to vector<16xi32>
        %select_n3A_809 = arith.select %eq3A_780, %broadcast_in_dim3A_807, %broadcast_in_dim3A_808 : vector<16xi1>, vector<16xi32>
        tpu.vector_store_idx %arg7[%add3A_804], %select_n3A_809 masked %gt3A_793 {add = true} : memref<65536xi32, #tpu.memory_space<vmem>>[vector<16xi32>], vector<16xi32>, vector<16xi1>
        %mul3A_810 = arith.constant 16 : i32
        %mul3A_811 = arith.muli %scan3A_86, %mul3A_810 : i32
        %get3A_812 = arith.constant 19 : i32
        %get3A_813 = arith.index_cast %get3A_812 : i32 to index
        %get3A_814 = arith.index_cast %mul3A_811 : i32 to index
        %get3A_815 = tpu.vector_load %arg5[%get3A_813, %get3A_814] {strides = array<i32>} : memref<21x1024xf32, #tpu.memory_space<vmem>>, vector<16xf32>,
        %eq3A_816 = arith.constant 19 : i32
        %eq3A_817 = vector.broadcast %eq3A_816 : i32 to vector<16xi32>
        %eq3A_818 = arith.cmpi eq, %get3A_90, %eq3A_817 : vector<16xi32>
        %mul3A_819 = arith.constant 5.120000e+02 : f32
        %mul3A_820 = vector.broadcast %mul3A_819 : f32 to vector<16xf32>
        %mul3A_821 = arith.mulf %get3A_815, %mul3A_820 : vector<16xf32>
        %add3A_822 = arith.constant 5.120000e+02 : f32
        %add3A_823 = vector.broadcast %add3A_822 : f32 to vector<16xf32>
        %add3A_824 = arith.addf %mul3A_821, %add3A_823 : vector<16xf32>
        %sub3A_825 = arith.constant 1.024000e+03 : f32
        %sub3A_826 = vector.broadcast %sub3A_825 : f32 to vector<16xf32>
        %sub3A_827 = arith.subf %sub3A_826, %add3A_824 : vector<16xf32>
        %select_n3A_828 = arith.select %eq3A_818, %sub3A_827, %add3A_824 : vector<16xi1>, vector<16xf32>
        %gt3A_829 = arith.constant 0.000000e+00 : f32
        %gt3A_830 = vector.broadcast %gt3A_829 : f32 to vector<16xf32>
        %gt3A_831 = arith.cmpf ogt, %select_n3A_828, %gt3A_830 : vector<16xf32>
        %min3A_832 = arith.constant 4.095000e+03 : f32
        %min3A_833 = vector.broadcast %min3A_832 : f32 to vector<16xf32>
        %min3A_834 = arith.minimumf %select_n3A_828, %min3A_833 : vector<16xf32>
        %convert_element_type3A_835 = arith.fptosi %min3A_834 : vector<16xf32> to vector<16xi32>
        %max3A_836 = arith.constant 0 : i32
        %max3A_837 = vector.broadcast %max3A_836 : i32 to vector<16xi32>
        %max3A_838 = arith.maxsi %convert_element_type3A_835, %max3A_837 : vector<16xi32>
        %mul3A_839 = arith.constant 16 : i32
        %mul3A_840 = vector.broadcast %mul3A_839 : i32 to vector<16xi32>
        %mul3A_841 = arith.muli %max3A_838, %mul3A_840 : vector<16xi32>
        %add3A_842 = arith.addi %mul3A_841, %iota3A : vector<16xi32>
        %jit3A_843 = arith.constant 65536 : i32
        %jit3A_844 = arith.constant 1 : i32
        %broadcast_in_dim3A_845 = vector.broadcast %jit3A_843 : i32 to vector<16xi32>
        %broadcast_in_dim3A_846 = vector.broadcast %jit3A_844 : i32 to vector<16xi32>
        %select_n3A_847 = arith.select %eq3A_818, %broadcast_in_dim3A_845, %broadcast_in_dim3A_846 : vector<16xi1>, vector<16xi32>
        tpu.vector_store_idx %arg7[%add3A_842], %select_n3A_847 masked %gt3A_831 {add = true} : memref<65536xi32, #tpu.memory_space<vmem>>[vector<16xi32>], vector<16xi32>, vector<16xi1>
        %mul3A_848 = arith.constant 16 : i32
        %mul3A_849 = arith.muli %scan3A_86, %mul3A_848 : i32
        %get3A_850 = arith.constant 20 : i32
        %get3A_851 = arith.index_cast %get3A_850 : i32 to index
        %get3A_852 = arith.index_cast %mul3A_849 : i32 to index
        %get3A_853 = tpu.vector_load %arg5[%get3A_851, %get3A_852] {strides = array<i32>} : memref<21x1024xf32, #tpu.memory_space<vmem>>, vector<16xf32>,
        %eq3A_854 = arith.constant 20 : i32
        %eq3A_855 = vector.broadcast %eq3A_854 : i32 to vector<16xi32>
        %eq3A_856 = arith.cmpi eq, %get3A_90, %eq3A_855 : vector<16xi32>
        %mul3A_857 = arith.constant 5.120000e+02 : f32
        %mul3A_858 = vector.broadcast %mul3A_857 : f32 to vector<16xf32>
        %mul3A_859 = arith.mulf %get3A_853, %mul3A_858 : vector<16xf32>
        %add3A_860 = arith.constant 5.120000e+02 : f32
        %add3A_861 = vector.broadcast %add3A_860 : f32 to vector<16xf32>
        %add3A_862 = arith.addf %mul3A_859, %add3A_861 : vector<16xf32>
        %sub3A_863 = arith.constant 1.024000e+03 : f32
        %sub3A_864 = vector.broadcast %sub3A_863 : f32 to vector<16xf32>
        %sub3A_865 = arith.subf %sub3A_864, %add3A_862 : vector<16xf32>
        %select_n3A_866 = arith.select %eq3A_856, %sub3A_865, %add3A_862 : vector<16xi1>, vector<16xf32>
        %gt3A_867 = arith.constant 0.000000e+00 : f32
        %gt3A_868 = vector.broadcast %gt3A_867 : f32 to vector<16xf32>
        %gt3A_869 = arith.cmpf ogt, %select_n3A_866, %gt3A_868 : vector<16xf32>
        %min3A_870 = arith.constant 4.095000e+03 : f32
        %min3A_871 = vector.broadcast %min3A_870 : f32 to vector<16xf32>
        %min3A_872 = arith.minimumf %select_n3A_866, %min3A_871 : vector<16xf32>
        %convert_element_type3A_873 = arith.fptosi %min3A_872 : vector<16xf32> to vector<16xi32>
        %max3A_874 = arith.constant 0 : i32
        %max3A_875 = vector.broadcast %max3A_874 : i32 to vector<16xi32>
        %max3A_876 = arith.maxsi %convert_element_type3A_873, %max3A_875 : vector<16xi32>
        %mul3A_877 = arith.constant 16 : i32
        %mul3A_878 = vector.broadcast %mul3A_877 : i32 to vector<16xi32>
        %mul3A_879 = arith.muli %max3A_876, %mul3A_878 : vector<16xi32>
        %add3A_880 = arith.addi %mul3A_879, %iota3A : vector<16xi32>
        %jit3A_881 = arith.constant 65536 : i32
        %jit3A_882 = arith.constant 1 : i32
        %broadcast_in_dim3A_883 = vector.broadcast %jit3A_881 : i32 to vector<16xi32>
        %broadcast_in_dim3A_884 = vector.broadcast %jit3A_882 : i32 to vector<16xi32>
        %select_n3A_885 = arith.select %eq3A_856, %broadcast_in_dim3A_883, %broadcast_in_dim3A_884 : vector<16xi1>, vector<16xi32>
        tpu.vector_store_idx %arg7[%add3A_880], %select_n3A_885 masked %gt3A_869 {add = true} : memref<65536xi32, #tpu.memory_space<vmem>>[vector<16xi32>], vector<16xi32>, vector<16xi1>
        %scan3A_886 = arith.constant 0 : i32
        scf.yield %scan3A_886 : i32
      }
      %scan3A_84 = arith.constant 64 : i32
      %scan3A_85 = arith.constant 0 : i32
      scf.yield %scan3A_85 : i32
    }
    %scan3A_46 = arith.constant 32 : i32
    %scan3A_47 = arith.constant 0 : i32
    %scan3A_48 = arith.constant 0 : i32
    %scan3A_49 = arith.constant 256 : i32
    %scan3A_50 = arith.addi %scan3A_48, %scan3A_49 : i32
    %scan3A_51 = arith.constant 1 : i32
    %scan3A_52 = scf.for %scan3A_73 = %scan3A_48 to %scan3A_50 step %scan3A_51 iter_args(%scan3A_74 = %scan3A_47) -> (i32)  : i32 {
      %mul3A_75 = arith.constant 16 : i32
      %mul3A_76 = arith.muli %scan3A_73, %mul3A_75 : i32
      %add3A_77 = arith.constant 0 : i32
      %add3A_78 = arith.addi %mul3A_76, %add3A_77 : i32
      %mul3A_79 = arith.constant 16 : i32
      %mul3A_80 = arith.muli %add3A_78, %mul3A_79 : i32
      %get3A = arith.index_cast %mul3A_80 : i32 to index
      %get3A_81 = tpu.vector_load %arg7[%get3A] {strides = array<i32>} : memref<65536xi32, #tpu.memory_space<vmem>>, vector<16xi32>,
      %and3A_82 = arith.constant 65535 : i32
      %and3A_83 = vector.broadcast %and3A_82 : i32 to vector<16xi32>
      %and3A_84 = arith.andi %get3A_81, %and3A_83 : vector<16xi32>
      %reduce_sum3A = arith.constant true
      %reduce_sum3A_85 = vector.broadcast %reduce_sum3A : i1 to vector<16xi1>
      %reduce_sum3A_86 = tpu.scan <sum>, %and3A_84 masked %reduce_sum3A_85 : vector<16xi32>, vector<16xi1> -> vector<16xi32>
      %reduce_sum3A_87 = vector.extract %reduce_sum3A_86[15] : i32 from vector<16xi32>
      %shift_right_logical3A = arith.constant 16 : i32
      %shift_right_logical3A_88 = vector.broadcast %shift_right_logical3A : i32 to vector<16xi32>
      %shift_right_logical3A_89 = arith.shrui %get3A_81, %shift_right_logical3A_88 : vector<16xi32>
      %reduce_sum3A_90 = arith.constant true
      %reduce_sum3A_91 = vector.broadcast %reduce_sum3A_90 : i1 to vector<16xi1>
      %reduce_sum3A_92 = tpu.scan <sum>, %shift_right_logical3A_89 masked %reduce_sum3A_91 : vector<16xi32>, vector<16xi1> -> vector<16xi32>
      %reduce_sum3A_93 = vector.extract %reduce_sum3A_92[15] : i32 from vector<16xi32>
      %eq3A_94 = arith.constant 0 : i32
      %eq3A_95 = vector.broadcast %eq3A_94 : i32 to vector<16xi32>
      %eq3A_96 = arith.cmpi eq, %iota3A, %eq3A_95 : vector<16xi32>
      %broadcast_in_dim3A_97 = vector.broadcast %reduce_sum3A_87 : i32 to vector<16xi32>
      %select_n3A_98 = arith.select %eq3A_96, %broadcast_in_dim3A_97, %broadcast_in_dim3A_33 : vector<16xi1>, vector<16xi32>
      %broadcast_in_dim3A_99 = vector.broadcast %reduce_sum3A_93 : i32 to vector<16xi32>
      %select_n3A_100 = arith.select %eq3A_96, %broadcast_in_dim3A_99, %broadcast_in_dim3A_33 : vector<16xi1>, vector<16xi32>
      %mul3A_101 = arith.constant 16 : i32
      %mul3A_102 = arith.muli %scan3A_73, %mul3A_101 : i32
      %add3A_103 = arith.constant 1 : i32
      %add3A_104 = arith.addi %mul3A_102, %add3A_103 : i32
      %mul3A_105 = arith.constant 16 : i32
      %mul3A_106 = arith.muli %add3A_104, %mul3A_105 : i32
      %get3A_107 = arith.index_cast %mul3A_106 : i32 to index
      %get3A_108 = tpu.vector_load %arg7[%get3A_107] {strides = array<i32>} : memref<65536xi32, #tpu.memory_space<vmem>>, vector<16xi32>,
      %and3A_109 = arith.constant 65535 : i32
      %and3A_110 = vector.broadcast %and3A_109 : i32 to vector<16xi32>
      %and3A_111 = arith.andi %get3A_108, %and3A_110 : vector<16xi32>
      %reduce_sum3A_112 = arith.constant true
      %reduce_sum3A_113 = vector.broadcast %reduce_sum3A_112 : i1 to vector<16xi1>
      %reduce_sum3A_114 = tpu.scan <sum>, %and3A_111 masked %reduce_sum3A_113 : vector<16xi32>, vector<16xi1> -> vector<16xi32>
      %reduce_sum3A_115 = vector.extract %reduce_sum3A_114[15] : i32 from vector<16xi32>
      %shift_right_logical3A_116 = arith.constant 16 : i32
      %shift_right_logical3A_117 = vector.broadcast %shift_right_logical3A_116 : i32 to vector<16xi32>
      %shift_right_logical3A_118 = arith.shrui %get3A_108, %shift_right_logical3A_117 : vector<16xi32>
      %reduce_sum3A_119 = arith.constant true
      %reduce_sum3A_120 = vector.broadcast %reduce_sum3A_119 : i1 to vector<16xi1>
      %reduce_sum3A_121 = tpu.scan <sum>, %shift_right_logical3A_118 masked %reduce_sum3A_120 : vector<16xi32>, vector<16xi1> -> vector<16xi32>
      %reduce_sum3A_122 = vector.extract %reduce_sum3A_121[15] : i32 from vector<16xi32>
      %eq3A_123 = arith.constant 1 : i32
      %eq3A_124 = vector.broadcast %eq3A_123 : i32 to vector<16xi32>
      %eq3A_125 = arith.cmpi eq, %iota3A, %eq3A_124 : vector<16xi32>
      %broadcast_in_dim3A_126 = vector.broadcast %reduce_sum3A_115 : i32 to vector<16xi32>
      %select_n3A_127 = arith.select %eq3A_125, %broadcast_in_dim3A_126, %select_n3A_98 : vector<16xi1>, vector<16xi32>
      %broadcast_in_dim3A_128 = vector.broadcast %reduce_sum3A_122 : i32 to vector<16xi32>
      %select_n3A_129 = arith.select %eq3A_125, %broadcast_in_dim3A_128, %select_n3A_100 : vector<16xi1>, vector<16xi32>
      %mul3A_130 = arith.constant 16 : i32
      %mul3A_131 = arith.muli %scan3A_73, %mul3A_130 : i32
      %add3A_132 = arith.constant 2 : i32
      %add3A_133 = arith.addi %mul3A_131, %add3A_132 : i32
      %mul3A_134 = arith.constant 16 : i32
      %mul3A_135 = arith.muli %add3A_133, %mul3A_134 : i32
      %get3A_136 = arith.index_cast %mul3A_135 : i32 to index
      %get3A_137 = tpu.vector_load %arg7[%get3A_136] {strides = array<i32>} : memref<65536xi32, #tpu.memory_space<vmem>>, vector<16xi32>,
      %and3A_138 = arith.constant 65535 : i32
      %and3A_139 = vector.broadcast %and3A_138 : i32 to vector<16xi32>
      %and3A_140 = arith.andi %get3A_137, %and3A_139 : vector<16xi32>
      %reduce_sum3A_141 = arith.constant true
      %reduce_sum3A_142 = vector.broadcast %reduce_sum3A_141 : i1 to vector<16xi1>
      %reduce_sum3A_143 = tpu.scan <sum>, %and3A_140 masked %reduce_sum3A_142 : vector<16xi32>, vector<16xi1> -> vector<16xi32>
      %reduce_sum3A_144 = vector.extract %reduce_sum3A_143[15] : i32 from vector<16xi32>
      %shift_right_logical3A_145 = arith.constant 16 : i32
      %shift_right_logical3A_146 = vector.broadcast %shift_right_logical3A_145 : i32 to vector<16xi32>
      %shift_right_logical3A_147 = arith.shrui %get3A_137, %shift_right_logical3A_146 : vector<16xi32>
      %reduce_sum3A_148 = arith.constant true
      %reduce_sum3A_149 = vector.broadcast %reduce_sum3A_148 : i1 to vector<16xi1>
      %reduce_sum3A_150 = tpu.scan <sum>, %shift_right_logical3A_147 masked %reduce_sum3A_149 : vector<16xi32>, vector<16xi1> -> vector<16xi32>
      %reduce_sum3A_151 = vector.extract %reduce_sum3A_150[15] : i32 from vector<16xi32>
      %eq3A_152 = arith.constant 2 : i32
      %eq3A_153 = vector.broadcast %eq3A_152 : i32 to vector<16xi32>
      %eq3A_154 = arith.cmpi eq, %iota3A, %eq3A_153 : vector<16xi32>
      %broadcast_in_dim3A_155 = vector.broadcast %reduce_sum3A_144 : i32 to vector<16xi32>
      %select_n3A_156 = arith.select %eq3A_154, %broadcast_in_dim3A_155, %select_n3A_127 : vector<16xi1>, vector<16xi32>
      %broadcast_in_dim3A_157 = vector.broadcast %reduce_sum3A_151 : i32 to vector<16xi32>
      %select_n3A_158 = arith.select %eq3A_154, %broadcast_in_dim3A_157, %select_n3A_129 : vector<16xi1>, vector<16xi32>
      %mul3A_159 = arith.constant 16 : i32
      %mul3A_160 = arith.muli %scan3A_73, %mul3A_159 : i32
      %add3A_161 = arith.constant 3 : i32
      %add3A_162 = arith.addi %mul3A_160, %add3A_161 : i32
      %mul3A_163 = arith.constant 16 : i32
      %mul3A_164 = arith.muli %add3A_162, %mul3A_163 : i32
      %get3A_165 = arith.index_cast %mul3A_164 : i32 to index
      %get3A_166 = tpu.vector_load %arg7[%get3A_165] {strides = array<i32>} : memref<65536xi32, #tpu.memory_space<vmem>>, vector<16xi32>,
      %and3A_167 = arith.constant 65535 : i32
      %and3A_168 = vector.broadcast %and3A_167 : i32 to vector<16xi32>
      %and3A_169 = arith.andi %get3A_166, %and3A_168 : vector<16xi32>
      %reduce_sum3A_170 = arith.constant true
      %reduce_sum3A_171 = vector.broadcast %reduce_sum3A_170 : i1 to vector<16xi1>
      %reduce_sum3A_172 = tpu.scan <sum>, %and3A_169 masked %reduce_sum3A_171 : vector<16xi32>, vector<16xi1> -> vector<16xi32>
      %reduce_sum3A_173 = vector.extract %reduce_sum3A_172[15] : i32 from vector<16xi32>
      %shift_right_logical3A_174 = arith.constant 16 : i32
      %shift_right_logical3A_175 = vector.broadcast %shift_right_logical3A_174 : i32 to vector<16xi32>
      %shift_right_logical3A_176 = arith.shrui %get3A_166, %shift_right_logical3A_175 : vector<16xi32>
      %reduce_sum3A_177 = arith.constant true
      %reduce_sum3A_178 = vector.broadcast %reduce_sum3A_177 : i1 to vector<16xi1>
      %reduce_sum3A_179 = tpu.scan <sum>, %shift_right_logical3A_176 masked %reduce_sum3A_178 : vector<16xi32>, vector<16xi1> -> vector<16xi32>
      %reduce_sum3A_180 = vector.extract %reduce_sum3A_179[15] : i32 from vector<16xi32>
      %eq3A_181 = arith.constant 3 : i32
      %eq3A_182 = vector.broadcast %eq3A_181 : i32 to vector<16xi32>
      %eq3A_183 = arith.cmpi eq, %iota3A, %eq3A_182 : vector<16xi32>
      %broadcast_in_dim3A_184 = vector.broadcast %reduce_sum3A_173 : i32 to vector<16xi32>
      %select_n3A_185 = arith.select %eq3A_183, %broadcast_in_dim3A_184, %select_n3A_156 : vector<16xi1>, vector<16xi32>
      %broadcast_in_dim3A_186 = vector.broadcast %reduce_sum3A_180 : i32 to vector<16xi32>
      %select_n3A_187 = arith.select %eq3A_183, %broadcast_in_dim3A_186, %select_n3A_158 : vector<16xi1>, vector<16xi32>
      %mul3A_188 = arith.constant 16 : i32
      %mul3A_189 = arith.muli %scan3A_73, %mul3A_188 : i32
      %add3A_190 = arith.constant 4 : i32
      %add3A_191 = arith.addi %mul3A_189, %add3A_190 : i32
      %mul3A_192 = arith.constant 16 : i32
      %mul3A_193 = arith.muli %add3A_191, %mul3A_192 : i32
      %get3A_194 = arith.index_cast %mul3A_193 : i32 to index
      %get3A_195 = tpu.vector_load %arg7[%get3A_194] {strides = array<i32>} : memref<65536xi32, #tpu.memory_space<vmem>>, vector<16xi32>,
      %and3A_196 = arith.constant 65535 : i32
      %and3A_197 = vector.broadcast %and3A_196 : i32 to vector<16xi32>
      %and3A_198 = arith.andi %get3A_195, %and3A_197 : vector<16xi32>
      %reduce_sum3A_199 = arith.constant true
      %reduce_sum3A_200 = vector.broadcast %reduce_sum3A_199 : i1 to vector<16xi1>
      %reduce_sum3A_201 = tpu.scan <sum>, %and3A_198 masked %reduce_sum3A_200 : vector<16xi32>, vector<16xi1> -> vector<16xi32>
      %reduce_sum3A_202 = vector.extract %reduce_sum3A_201[15] : i32 from vector<16xi32>
      %shift_right_logical3A_203 = arith.constant 16 : i32
      %shift_right_logical3A_204 = vector.broadcast %shift_right_logical3A_203 : i32 to vector<16xi32>
      %shift_right_logical3A_205 = arith.shrui %get3A_195, %shift_right_logical3A_204 : vector<16xi32>
      %reduce_sum3A_206 = arith.constant true
      %reduce_sum3A_207 = vector.broadcast %reduce_sum3A_206 : i1 to vector<16xi1>
      %reduce_sum3A_208 = tpu.scan <sum>, %shift_right_logical3A_205 masked %reduce_sum3A_207 : vector<16xi32>, vector<16xi1> -> vector<16xi32>
      %reduce_sum3A_209 = vector.extract %reduce_sum3A_208[15] : i32 from vector<16xi32>
      %eq3A_210 = arith.constant 4 : i32
      %eq3A_211 = vector.broadcast %eq3A_210 : i32 to vector<16xi32>
      %eq3A_212 = arith.cmpi eq, %iota3A, %eq3A_211 : vector<16xi32>
      %broadcast_in_dim3A_213 = vector.broadcast %reduce_sum3A_202 : i32 to vector<16xi32>
      %select_n3A_214 = arith.select %eq3A_212, %broadcast_in_dim3A_213, %select_n3A_185 : vector<16xi1>, vector<16xi32>
      %broadcast_in_dim3A_215 = vector.broadcast %reduce_sum3A_209 : i32 to vector<16xi32>
      %select_n3A_216 = arith.select %eq3A_212, %broadcast_in_dim3A_215, %select_n3A_187 : vector<16xi1>, vector<16xi32>
      %mul3A_217 = arith.constant 16 : i32
      %mul3A_218 = arith.muli %scan3A_73, %mul3A_217 : i32
      %add3A_219 = arith.constant 5 : i32
      %add3A_220 = arith.addi %mul3A_218, %add3A_219 : i32
      %mul3A_221 = arith.constant 16 : i32
      %mul3A_222 = arith.muli %add3A_220, %mul3A_221 : i32
      %get3A_223 = arith.index_cast %mul3A_222 : i32 to index
      %get3A_224 = tpu.vector_load %arg7[%get3A_223] {strides = array<i32>} : memref<65536xi32, #tpu.memory_space<vmem>>, vector<16xi32>,
      %and3A_225 = arith.constant 65535 : i32
      %and3A_226 = vector.broadcast %and3A_225 : i32 to vector<16xi32>
      %and3A_227 = arith.andi %get3A_224, %and3A_226 : vector<16xi32>
      %reduce_sum3A_228 = arith.constant true
      %reduce_sum3A_229 = vector.broadcast %reduce_sum3A_228 : i1 to vector<16xi1>
      %reduce_sum3A_230 = tpu.scan <sum>, %and3A_227 masked %reduce_sum3A_229 : vector<16xi32>, vector<16xi1> -> vector<16xi32>
      %reduce_sum3A_231 = vector.extract %reduce_sum3A_230[15] : i32 from vector<16xi32>
      %shift_right_logical3A_232 = arith.constant 16 : i32
      %shift_right_logical3A_233 = vector.broadcast %shift_right_logical3A_232 : i32 to vector<16xi32>
      %shift_right_logical3A_234 = arith.shrui %get3A_224, %shift_right_logical3A_233 : vector<16xi32>
      %reduce_sum3A_235 = arith.constant true
      %reduce_sum3A_236 = vector.broadcast %reduce_sum3A_235 : i1 to vector<16xi1>
      %reduce_sum3A_237 = tpu.scan <sum>, %shift_right_logical3A_234 masked %reduce_sum3A_236 : vector<16xi32>, vector<16xi1> -> vector<16xi32>
      %reduce_sum3A_238 = vector.extract %reduce_sum3A_237[15] : i32 from vector<16xi32>
      %eq3A_239 = arith.constant 5 : i32
      %eq3A_240 = vector.broadcast %eq3A_239 : i32 to vector<16xi32>
      %eq3A_241 = arith.cmpi eq, %iota3A, %eq3A_240 : vector<16xi32>
      %broadcast_in_dim3A_242 = vector.broadcast %reduce_sum3A_231 : i32 to vector<16xi32>
      %select_n3A_243 = arith.select %eq3A_241, %broadcast_in_dim3A_242, %select_n3A_214 : vector<16xi1>, vector<16xi32>
      %broadcast_in_dim3A_244 = vector.broadcast %reduce_sum3A_238 : i32 to vector<16xi32>
      %select_n3A_245 = arith.select %eq3A_241, %broadcast_in_dim3A_244, %select_n3A_216 : vector<16xi1>, vector<16xi32>
      %mul3A_246 = arith.constant 16 : i32
      %mul3A_247 = arith.muli %scan3A_73, %mul3A_246 : i32
      %add3A_248 = arith.constant 6 : i32
      %add3A_249 = arith.addi %mul3A_247, %add3A_248 : i32
      %mul3A_250 = arith.constant 16 : i32
      %mul3A_251 = arith.muli %add3A_249, %mul3A_250 : i32
      %get3A_252 = arith.index_cast %mul3A_251 : i32 to index
      %get3A_253 = tpu.vector_load %arg7[%get3A_252] {strides = array<i32>} : memref<65536xi32, #tpu.memory_space<vmem>>, vector<16xi32>,
      %and3A_254 = arith.constant 65535 : i32
      %and3A_255 = vector.broadcast %and3A_254 : i32 to vector<16xi32>
      %and3A_256 = arith.andi %get3A_253, %and3A_255 : vector<16xi32>
      %reduce_sum3A_257 = arith.constant true
      %reduce_sum3A_258 = vector.broadcast %reduce_sum3A_257 : i1 to vector<16xi1>
      %reduce_sum3A_259 = tpu.scan <sum>, %and3A_256 masked %reduce_sum3A_258 : vector<16xi32>, vector<16xi1> -> vector<16xi32>
      %reduce_sum3A_260 = vector.extract %reduce_sum3A_259[15] : i32 from vector<16xi32>
      %shift_right_logical3A_261 = arith.constant 16 : i32
      %shift_right_logical3A_262 = vector.broadcast %shift_right_logical3A_261 : i32 to vector<16xi32>
      %shift_right_logical3A_263 = arith.shrui %get3A_253, %shift_right_logical3A_262 : vector<16xi32>
      %reduce_sum3A_264 = arith.constant true
      %reduce_sum3A_265 = vector.broadcast %reduce_sum3A_264 : i1 to vector<16xi1>
      %reduce_sum3A_266 = tpu.scan <sum>, %shift_right_logical3A_263 masked %reduce_sum3A_265 : vector<16xi32>, vector<16xi1> -> vector<16xi32>
      %reduce_sum3A_267 = vector.extract %reduce_sum3A_266[15] : i32 from vector<16xi32>
      %eq3A_268 = arith.constant 6 : i32
      %eq3A_269 = vector.broadcast %eq3A_268 : i32 to vector<16xi32>
      %eq3A_270 = arith.cmpi eq, %iota3A, %eq3A_269 : vector<16xi32>
      %broadcast_in_dim3A_271 = vector.broadcast %reduce_sum3A_260 : i32 to vector<16xi32>
      %select_n3A_272 = arith.select %eq3A_270, %broadcast_in_dim3A_271, %select_n3A_243 : vector<16xi1>, vector<16xi32>
      %broadcast_in_dim3A_273 = vector.broadcast %reduce_sum3A_267 : i32 to vector<16xi32>
      %select_n3A_274 = arith.select %eq3A_270, %broadcast_in_dim3A_273, %select_n3A_245 : vector<16xi1>, vector<16xi32>
      %mul3A_275 = arith.constant 16 : i32
      %mul3A_276 = arith.muli %scan3A_73, %mul3A_275 : i32
      %add3A_277 = arith.constant 7 : i32
      %add3A_278 = arith.addi %mul3A_276, %add3A_277 : i32
      %mul3A_279 = arith.constant 16 : i32
      %mul3A_280 = arith.muli %add3A_278, %mul3A_279 : i32
      %get3A_281 = arith.index_cast %mul3A_280 : i32 to index
      %get3A_282 = tpu.vector_load %arg7[%get3A_281] {strides = array<i32>} : memref<65536xi32, #tpu.memory_space<vmem>>, vector<16xi32>,
      %and3A_283 = arith.constant 65535 : i32
      %and3A_284 = vector.broadcast %and3A_283 : i32 to vector<16xi32>
      %and3A_285 = arith.andi %get3A_282, %and3A_284 : vector<16xi32>
      %reduce_sum3A_286 = arith.constant true
      %reduce_sum3A_287 = vector.broadcast %reduce_sum3A_286 : i1 to vector<16xi1>
      %reduce_sum3A_288 = tpu.scan <sum>, %and3A_285 masked %reduce_sum3A_287 : vector<16xi32>, vector<16xi1> -> vector<16xi32>
      %reduce_sum3A_289 = vector.extract %reduce_sum3A_288[15] : i32 from vector<16xi32>
      %shift_right_logical3A_290 = arith.constant 16 : i32
      %shift_right_logical3A_291 = vector.broadcast %shift_right_logical3A_290 : i32 to vector<16xi32>
      %shift_right_logical3A_292 = arith.shrui %get3A_282, %shift_right_logical3A_291 : vector<16xi32>
      %reduce_sum3A_293 = arith.constant true
      %reduce_sum3A_294 = vector.broadcast %reduce_sum3A_293 : i1 to vector<16xi1>
      %reduce_sum3A_295 = tpu.scan <sum>, %shift_right_logical3A_292 masked %reduce_sum3A_294 : vector<16xi32>, vector<16xi1> -> vector<16xi32>
      %reduce_sum3A_296 = vector.extract %reduce_sum3A_295[15] : i32 from vector<16xi32>
      %eq3A_297 = arith.constant 7 : i32
      %eq3A_298 = vector.broadcast %eq3A_297 : i32 to vector<16xi32>
      %eq3A_299 = arith.cmpi eq, %iota3A, %eq3A_298 : vector<16xi32>
      %broadcast_in_dim3A_300 = vector.broadcast %reduce_sum3A_289 : i32 to vector<16xi32>
      %select_n3A_301 = arith.select %eq3A_299, %broadcast_in_dim3A_300, %select_n3A_272 : vector<16xi1>, vector<16xi32>
      %broadcast_in_dim3A_302 = vector.broadcast %reduce_sum3A_296 : i32 to vector<16xi32>
      %select_n3A_303 = arith.select %eq3A_299, %broadcast_in_dim3A_302, %select_n3A_274 : vector<16xi1>, vector<16xi32>
      %mul3A_304 = arith.constant 16 : i32
      %mul3A_305 = arith.muli %scan3A_73, %mul3A_304 : i32
      %add3A_306 = arith.constant 8 : i32
      %add3A_307 = arith.addi %mul3A_305, %add3A_306 : i32
      %mul3A_308 = arith.constant 16 : i32
      %mul3A_309 = arith.muli %add3A_307, %mul3A_308 : i32
      %get3A_310 = arith.index_cast %mul3A_309 : i32 to index
      %get3A_311 = tpu.vector_load %arg7[%get3A_310] {strides = array<i32>} : memref<65536xi32, #tpu.memory_space<vmem>>, vector<16xi32>,
      %and3A_312 = arith.constant 65535 : i32
      %and3A_313 = vector.broadcast %and3A_312 : i32 to vector<16xi32>
      %and3A_314 = arith.andi %get3A_311, %and3A_313 : vector<16xi32>
      %reduce_sum3A_315 = arith.constant true
      %reduce_sum3A_316 = vector.broadcast %reduce_sum3A_315 : i1 to vector<16xi1>
      %reduce_sum3A_317 = tpu.scan <sum>, %and3A_314 masked %reduce_sum3A_316 : vector<16xi32>, vector<16xi1> -> vector<16xi32>
      %reduce_sum3A_318 = vector.extract %reduce_sum3A_317[15] : i32 from vector<16xi32>
      %shift_right_logical3A_319 = arith.constant 16 : i32
      %shift_right_logical3A_320 = vector.broadcast %shift_right_logical3A_319 : i32 to vector<16xi32>
      %shift_right_logical3A_321 = arith.shrui %get3A_311, %shift_right_logical3A_320 : vector<16xi32>
      %reduce_sum3A_322 = arith.constant true
      %reduce_sum3A_323 = vector.broadcast %reduce_sum3A_322 : i1 to vector<16xi1>
      %reduce_sum3A_324 = tpu.scan <sum>, %shift_right_logical3A_321 masked %reduce_sum3A_323 : vector<16xi32>, vector<16xi1> -> vector<16xi32>
      %reduce_sum3A_325 = vector.extract %reduce_sum3A_324[15] : i32 from vector<16xi32>
      %eq3A_326 = arith.constant 8 : i32
      %eq3A_327 = vector.broadcast %eq3A_326 : i32 to vector<16xi32>
      %eq3A_328 = arith.cmpi eq, %iota3A, %eq3A_327 : vector<16xi32>
      %broadcast_in_dim3A_329 = vector.broadcast %reduce_sum3A_318 : i32 to vector<16xi32>
      %select_n3A_330 = arith.select %eq3A_328, %broadcast_in_dim3A_329, %select_n3A_301 : vector<16xi1>, vector<16xi32>
      %broadcast_in_dim3A_331 = vector.broadcast %reduce_sum3A_325 : i32 to vector<16xi32>
      %select_n3A_332 = arith.select %eq3A_328, %broadcast_in_dim3A_331, %select_n3A_303 : vector<16xi1>, vector<16xi32>
      %mul3A_333 = arith.constant 16 : i32
      %mul3A_334 = arith.muli %scan3A_73, %mul3A_333 : i32
      %add3A_335 = arith.constant 9 : i32
      %add3A_336 = arith.addi %mul3A_334, %add3A_335 : i32
      %mul3A_337 = arith.constant 16 : i32
      %mul3A_338 = arith.muli %add3A_336, %mul3A_337 : i32
      %get3A_339 = arith.index_cast %mul3A_338 : i32 to index
      %get3A_340 = tpu.vector_load %arg7[%get3A_339] {strides = array<i32>} : memref<65536xi32, #tpu.memory_space<vmem>>, vector<16xi32>,
      %and3A_341 = arith.constant 65535 : i32
      %and3A_342 = vector.broadcast %and3A_341 : i32 to vector<16xi32>
      %and3A_343 = arith.andi %get3A_340, %and3A_342 : vector<16xi32>
      %reduce_sum3A_344 = arith.constant true
      %reduce_sum3A_345 = vector.broadcast %reduce_sum3A_344 : i1 to vector<16xi1>
      %reduce_sum3A_346 = tpu.scan <sum>, %and3A_343 masked %reduce_sum3A_345 : vector<16xi32>, vector<16xi1> -> vector<16xi32>
      %reduce_sum3A_347 = vector.extract %reduce_sum3A_346[15] : i32 from vector<16xi32>
      %shift_right_logical3A_348 = arith.constant 16 : i32
      %shift_right_logical3A_349 = vector.broadcast %shift_right_logical3A_348 : i32 to vector<16xi32>
      %shift_right_logical3A_350 = arith.shrui %get3A_340, %shift_right_logical3A_349 : vector<16xi32>
      %reduce_sum3A_351 = arith.constant true
      %reduce_sum3A_352 = vector.broadcast %reduce_sum3A_351 : i1 to vector<16xi1>
      %reduce_sum3A_353 = tpu.scan <sum>, %shift_right_logical3A_350 masked %reduce_sum3A_352 : vector<16xi32>, vector<16xi1> -> vector<16xi32>
      %reduce_sum3A_354 = vector.extract %reduce_sum3A_353[15] : i32 from vector<16xi32>
      %eq3A_355 = arith.constant 9 : i32
      %eq3A_356 = vector.broadcast %eq3A_355 : i32 to vector<16xi32>
      %eq3A_357 = arith.cmpi eq, %iota3A, %eq3A_356 : vector<16xi32>
      %broadcast_in_dim3A_358 = vector.broadcast %reduce_sum3A_347 : i32 to vector<16xi32>
      %select_n3A_359 = arith.select %eq3A_357, %broadcast_in_dim3A_358, %select_n3A_330 : vector<16xi1>, vector<16xi32>
      %broadcast_in_dim3A_360 = vector.broadcast %reduce_sum3A_354 : i32 to vector<16xi32>
      %select_n3A_361 = arith.select %eq3A_357, %broadcast_in_dim3A_360, %select_n3A_332 : vector<16xi1>, vector<16xi32>
      %mul3A_362 = arith.constant 16 : i32
      %mul3A_363 = arith.muli %scan3A_73, %mul3A_362 : i32
      %add3A_364 = arith.constant 10 : i32
      %add3A_365 = arith.addi %mul3A_363, %add3A_364 : i32
      %mul3A_366 = arith.constant 16 : i32
      %mul3A_367 = arith.muli %add3A_365, %mul3A_366 : i32
      %get3A_368 = arith.index_cast %mul3A_367 : i32 to index
      %get3A_369 = tpu.vector_load %arg7[%get3A_368] {strides = array<i32>} : memref<65536xi32, #tpu.memory_space<vmem>>, vector<16xi32>,
      %and3A_370 = arith.constant 65535 : i32
      %and3A_371 = vector.broadcast %and3A_370 : i32 to vector<16xi32>
      %and3A_372 = arith.andi %get3A_369, %and3A_371 : vector<16xi32>
      %reduce_sum3A_373 = arith.constant true
      %reduce_sum3A_374 = vector.broadcast %reduce_sum3A_373 : i1 to vector<16xi1>
      %reduce_sum3A_375 = tpu.scan <sum>, %and3A_372 masked %reduce_sum3A_374 : vector<16xi32>, vector<16xi1> -> vector<16xi32>
      %reduce_sum3A_376 = vector.extract %reduce_sum3A_375[15] : i32 from vector<16xi32>
      %shift_right_logical3A_377 = arith.constant 16 : i32
      %shift_right_logical3A_378 = vector.broadcast %shift_right_logical3A_377 : i32 to vector<16xi32>
      %shift_right_logical3A_379 = arith.shrui %get3A_369, %shift_right_logical3A_378 : vector<16xi32>
      %reduce_sum3A_380 = arith.constant true
      %reduce_sum3A_381 = vector.broadcast %reduce_sum3A_380 : i1 to vector<16xi1>
      %reduce_sum3A_382 = tpu.scan <sum>, %shift_right_logical3A_379 masked %reduce_sum3A_381 : vector<16xi32>, vector<16xi1> -> vector<16xi32>
      %reduce_sum3A_383 = vector.extract %reduce_sum3A_382[15] : i32 from vector<16xi32>
      %eq3A_384 = arith.constant 10 : i32
      %eq3A_385 = vector.broadcast %eq3A_384 : i32 to vector<16xi32>
      %eq3A_386 = arith.cmpi eq, %iota3A, %eq3A_385 : vector<16xi32>
      %broadcast_in_dim3A_387 = vector.broadcast %reduce_sum3A_376 : i32 to vector<16xi32>
      %select_n3A_388 = arith.select %eq3A_386, %broadcast_in_dim3A_387, %select_n3A_359 : vector<16xi1>, vector<16xi32>
      %broadcast_in_dim3A_389 = vector.broadcast %reduce_sum3A_383 : i32 to vector<16xi32>
      %select_n3A_390 = arith.select %eq3A_386, %broadcast_in_dim3A_389, %select_n3A_361 : vector<16xi1>, vector<16xi32>
      %mul3A_391 = arith.constant 16 : i32
      %mul3A_392 = arith.muli %scan3A_73, %mul3A_391 : i32
      %add3A_393 = arith.constant 11 : i32
      %add3A_394 = arith.addi %mul3A_392, %add3A_393 : i32
      %mul3A_395 = arith.constant 16 : i32
      %mul3A_396 = arith.muli %add3A_394, %mul3A_395 : i32
      %get3A_397 = arith.index_cast %mul3A_396 : i32 to index
      %get3A_398 = tpu.vector_load %arg7[%get3A_397] {strides = array<i32>} : memref<65536xi32, #tpu.memory_space<vmem>>, vector<16xi32>,
      %and3A_399 = arith.constant 65535 : i32
      %and3A_400 = vector.broadcast %and3A_399 : i32 to vector<16xi32>
      %and3A_401 = arith.andi %get3A_398, %and3A_400 : vector<16xi32>
      %reduce_sum3A_402 = arith.constant true
      %reduce_sum3A_403 = vector.broadcast %reduce_sum3A_402 : i1 to vector<16xi1>
      %reduce_sum3A_404 = tpu.scan <sum>, %and3A_401 masked %reduce_sum3A_403 : vector<16xi32>, vector<16xi1> -> vector<16xi32>
      %reduce_sum3A_405 = vector.extract %reduce_sum3A_404[15] : i32 from vector<16xi32>
      %shift_right_logical3A_406 = arith.constant 16 : i32
      %shift_right_logical3A_407 = vector.broadcast %shift_right_logical3A_406 : i32 to vector<16xi32>
      %shift_right_logical3A_408 = arith.shrui %get3A_398, %shift_right_logical3A_407 : vector<16xi32>
      %reduce_sum3A_409 = arith.constant true
      %reduce_sum3A_410 = vector.broadcast %reduce_sum3A_409 : i1 to vector<16xi1>
      %reduce_sum3A_411 = tpu.scan <sum>, %shift_right_logical3A_408 masked %reduce_sum3A_410 : vector<16xi32>, vector<16xi1> -> vector<16xi32>
      %reduce_sum3A_412 = vector.extract %reduce_sum3A_411[15] : i32 from vector<16xi32>
      %eq3A_413 = arith.constant 11 : i32
      %eq3A_414 = vector.broadcast %eq3A_413 : i32 to vector<16xi32>
      %eq3A_415 = arith.cmpi eq, %iota3A, %eq3A_414 : vector<16xi32>
      %broadcast_in_dim3A_416 = vector.broadcast %reduce_sum3A_405 : i32 to vector<16xi32>
      %select_n3A_417 = arith.select %eq3A_415, %broadcast_in_dim3A_416, %select_n3A_388 : vector<16xi1>, vector<16xi32>
      %broadcast_in_dim3A_418 = vector.broadcast %reduce_sum3A_412 : i32 to vector<16xi32>
      %select_n3A_419 = arith.select %eq3A_415, %broadcast_in_dim3A_418, %select_n3A_390 : vector<16xi1>, vector<16xi32>
      %mul3A_420 = arith.constant 16 : i32
      %mul3A_421 = arith.muli %scan3A_73, %mul3A_420 : i32
      %add3A_422 = arith.constant 12 : i32
      %add3A_423 = arith.addi %mul3A_421, %add3A_422 : i32
      %mul3A_424 = arith.constant 16 : i32
      %mul3A_425 = arith.muli %add3A_423, %mul3A_424 : i32
      %get3A_426 = arith.index_cast %mul3A_425 : i32 to index
      %get3A_427 = tpu.vector_load %arg7[%get3A_426] {strides = array<i32>} : memref<65536xi32, #tpu.memory_space<vmem>>, vector<16xi32>,
      %and3A_428 = arith.constant 65535 : i32
      %and3A_429 = vector.broadcast %and3A_428 : i32 to vector<16xi32>
      %and3A_430 = arith.andi %get3A_427, %and3A_429 : vector<16xi32>
      %reduce_sum3A_431 = arith.constant true
      %reduce_sum3A_432 = vector.broadcast %reduce_sum3A_431 : i1 to vector<16xi1>
      %reduce_sum3A_433 = tpu.scan <sum>, %and3A_430 masked %reduce_sum3A_432 : vector<16xi32>, vector<16xi1> -> vector<16xi32>
      %reduce_sum3A_434 = vector.extract %reduce_sum3A_433[15] : i32 from vector<16xi32>
      %shift_right_logical3A_435 = arith.constant 16 : i32
      %shift_right_logical3A_436 = vector.broadcast %shift_right_logical3A_435 : i32 to vector<16xi32>
      %shift_right_logical3A_437 = arith.shrui %get3A_427, %shift_right_logical3A_436 : vector<16xi32>
      %reduce_sum3A_438 = arith.constant true
      %reduce_sum3A_439 = vector.broadcast %reduce_sum3A_438 : i1 to vector<16xi1>
      %reduce_sum3A_440 = tpu.scan <sum>, %shift_right_logical3A_437 masked %reduce_sum3A_439 : vector<16xi32>, vector<16xi1> -> vector<16xi32>
      %reduce_sum3A_441 = vector.extract %reduce_sum3A_440[15] : i32 from vector<16xi32>
      %eq3A_442 = arith.constant 12 : i32
      %eq3A_443 = vector.broadcast %eq3A_442 : i32 to vector<16xi32>
      %eq3A_444 = arith.cmpi eq, %iota3A, %eq3A_443 : vector<16xi32>
      %broadcast_in_dim3A_445 = vector.broadcast %reduce_sum3A_434 : i32 to vector<16xi32>
      %select_n3A_446 = arith.select %eq3A_444, %broadcast_in_dim3A_445, %select_n3A_417 : vector<16xi1>, vector<16xi32>
      %broadcast_in_dim3A_447 = vector.broadcast %reduce_sum3A_441 : i32 to vector<16xi32>
      %select_n3A_448 = arith.select %eq3A_444, %broadcast_in_dim3A_447, %select_n3A_419 : vector<16xi1>, vector<16xi32>
      %mul3A_449 = arith.constant 16 : i32
      %mul3A_450 = arith.muli %scan3A_73, %mul3A_449 : i32
      %add3A_451 = arith.constant 13 : i32
      %add3A_452 = arith.addi %mul3A_450, %add3A_451 : i32
      %mul3A_453 = arith.constant 16 : i32
      %mul3A_454 = arith.muli %add3A_452, %mul3A_453 : i32
      %get3A_455 = arith.index_cast %mul3A_454 : i32 to index
      %get3A_456 = tpu.vector_load %arg7[%get3A_455] {strides = array<i32>} : memref<65536xi32, #tpu.memory_space<vmem>>, vector<16xi32>,
      %and3A_457 = arith.constant 65535 : i32
      %and3A_458 = vector.broadcast %and3A_457 : i32 to vector<16xi32>
      %and3A_459 = arith.andi %get3A_456, %and3A_458 : vector<16xi32>
      %reduce_sum3A_460 = arith.constant true
      %reduce_sum3A_461 = vector.broadcast %reduce_sum3A_460 : i1 to vector<16xi1>
      %reduce_sum3A_462 = tpu.scan <sum>, %and3A_459 masked %reduce_sum3A_461 : vector<16xi32>, vector<16xi1> -> vector<16xi32>
      %reduce_sum3A_463 = vector.extract %reduce_sum3A_462[15] : i32 from vector<16xi32>
      %shift_right_logical3A_464 = arith.constant 16 : i32
      %shift_right_logical3A_465 = vector.broadcast %shift_right_logical3A_464 : i32 to vector<16xi32>
      %shift_right_logical3A_466 = arith.shrui %get3A_456, %shift_right_logical3A_465 : vector<16xi32>
      %reduce_sum3A_467 = arith.constant true
      %reduce_sum3A_468 = vector.broadcast %reduce_sum3A_467 : i1 to vector<16xi1>
      %reduce_sum3A_469 = tpu.scan <sum>, %shift_right_logical3A_466 masked %reduce_sum3A_468 : vector<16xi32>, vector<16xi1> -> vector<16xi32>
      %reduce_sum3A_470 = vector.extract %reduce_sum3A_469[15] : i32 from vector<16xi32>
      %eq3A_471 = arith.constant 13 : i32
      %eq3A_472 = vector.broadcast %eq3A_471 : i32 to vector<16xi32>
      %eq3A_473 = arith.cmpi eq, %iota3A, %eq3A_472 : vector<16xi32>
      %broadcast_in_dim3A_474 = vector.broadcast %reduce_sum3A_463 : i32 to vector<16xi32>
      %select_n3A_475 = arith.select %eq3A_473, %broadcast_in_dim3A_474, %select_n3A_446 : vector<16xi1>, vector<16xi32>
      %broadcast_in_dim3A_476 = vector.broadcast %reduce_sum3A_470 : i32 to vector<16xi32>
      %select_n3A_477 = arith.select %eq3A_473, %broadcast_in_dim3A_476, %select_n3A_448 : vector<16xi1>, vector<16xi32>
      %mul3A_478 = arith.constant 16 : i32
      %mul3A_479 = arith.muli %scan3A_73, %mul3A_478 : i32
      %add3A_480 = arith.constant 14 : i32
      %add3A_481 = arith.addi %mul3A_479, %add3A_480 : i32
      %mul3A_482 = arith.constant 16 : i32
      %mul3A_483 = arith.muli %add3A_481, %mul3A_482 : i32
      %get3A_484 = arith.index_cast %mul3A_483 : i32 to index
      %get3A_485 = tpu.vector_load %arg7[%get3A_484] {strides = array<i32>} : memref<65536xi32, #tpu.memory_space<vmem>>, vector<16xi32>,
      %and3A_486 = arith.constant 65535 : i32
      %and3A_487 = vector.broadcast %and3A_486 : i32 to vector<16xi32>
      %and3A_488 = arith.andi %get3A_485, %and3A_487 : vector<16xi32>
      %reduce_sum3A_489 = arith.constant true
      %reduce_sum3A_490 = vector.broadcast %reduce_sum3A_489 : i1 to vector<16xi1>
      %reduce_sum3A_491 = tpu.scan <sum>, %and3A_488 masked %reduce_sum3A_490 : vector<16xi32>, vector<16xi1> -> vector<16xi32>
      %reduce_sum3A_492 = vector.extract %reduce_sum3A_491[15] : i32 from vector<16xi32>
      %shift_right_logical3A_493 = arith.constant 16 : i32
      %shift_right_logical3A_494 = vector.broadcast %shift_right_logical3A_493 : i32 to vector<16xi32>
      %shift_right_logical3A_495 = arith.shrui %get3A_485, %shift_right_logical3A_494 : vector<16xi32>
      %reduce_sum3A_496 = arith.constant true
      %reduce_sum3A_497 = vector.broadcast %reduce_sum3A_496 : i1 to vector<16xi1>
      %reduce_sum3A_498 = tpu.scan <sum>, %shift_right_logical3A_495 masked %reduce_sum3A_497 : vector<16xi32>, vector<16xi1> -> vector<16xi32>
      %reduce_sum3A_499 = vector.extract %reduce_sum3A_498[15] : i32 from vector<16xi32>
      %eq3A_500 = arith.constant 14 : i32
      %eq3A_501 = vector.broadcast %eq3A_500 : i32 to vector<16xi32>
      %eq3A_502 = arith.cmpi eq, %iota3A, %eq3A_501 : vector<16xi32>
      %broadcast_in_dim3A_503 = vector.broadcast %reduce_sum3A_492 : i32 to vector<16xi32>
      %select_n3A_504 = arith.select %eq3A_502, %broadcast_in_dim3A_503, %select_n3A_475 : vector<16xi1>, vector<16xi32>
      %broadcast_in_dim3A_505 = vector.broadcast %reduce_sum3A_499 : i32 to vector<16xi32>
      %select_n3A_506 = arith.select %eq3A_502, %broadcast_in_dim3A_505, %select_n3A_477 : vector<16xi1>, vector<16xi32>
      %mul3A_507 = arith.constant 16 : i32
      %mul3A_508 = arith.muli %scan3A_73, %mul3A_507 : i32
      %add3A_509 = arith.constant 15 : i32
      %add3A_510 = arith.addi %mul3A_508, %add3A_509 : i32
      %mul3A_511 = arith.constant 16 : i32
      %mul3A_512 = arith.muli %add3A_510, %mul3A_511 : i32
      %get3A_513 = arith.index_cast %mul3A_512 : i32 to index
      %get3A_514 = tpu.vector_load %arg7[%get3A_513] {strides = array<i32>} : memref<65536xi32, #tpu.memory_space<vmem>>, vector<16xi32>,
      %and3A_515 = arith.constant 65535 : i32
      %and3A_516 = vector.broadcast %and3A_515 : i32 to vector<16xi32>
      %and3A_517 = arith.andi %get3A_514, %and3A_516 : vector<16xi32>
      %reduce_sum3A_518 = arith.constant true
      %reduce_sum3A_519 = vector.broadcast %reduce_sum3A_518 : i1 to vector<16xi1>
      %reduce_sum3A_520 = tpu.scan <sum>, %and3A_517 masked %reduce_sum3A_519 : vector<16xi32>, vector<16xi1> -> vector<16xi32>
      %reduce_sum3A_521 = vector.extract %reduce_sum3A_520[15] : i32 from vector<16xi32>
      %shift_right_logical3A_522 = arith.constant 16 : i32
      %shift_right_logical3A_523 = vector.broadcast %shift_right_logical3A_522 : i32 to vector<16xi32>
      %shift_right_logical3A_524 = arith.shrui %get3A_514, %shift_right_logical3A_523 : vector<16xi32>
      %reduce_sum3A_525 = arith.constant true
      %reduce_sum3A_526 = vector.broadcast %reduce_sum3A_525 : i1 to vector<16xi1>
      %reduce_sum3A_527 = tpu.scan <sum>, %shift_right_logical3A_524 masked %reduce_sum3A_526 : vector<16xi32>, vector<16xi1> -> vector<16xi32>
      %reduce_sum3A_528 = vector.extract %reduce_sum3A_527[15] : i32 from vector<16xi32>
      %eq3A_529 = arith.constant 15 : i32
      %eq3A_530 = vector.broadcast %eq3A_529 : i32 to vector<16xi32>
      %eq3A_531 = arith.cmpi eq, %iota3A, %eq3A_530 : vector<16xi32>
      %broadcast_in_dim3A_532 = vector.broadcast %reduce_sum3A_521 : i32 to vector<16xi32>
      %select_n3A_533 = arith.select %eq3A_531, %broadcast_in_dim3A_532, %select_n3A_504 : vector<16xi1>, vector<16xi32>
      %broadcast_in_dim3A_534 = vector.broadcast %reduce_sum3A_528 : i32 to vector<16xi32>
      %select_n3A_535 = arith.select %eq3A_531, %broadcast_in_dim3A_534, %select_n3A_506 : vector<16xi1>, vector<16xi32>
      %mul3A_536 = arith.constant 16 : i32
      %mul3A_537 = arith.muli %scan3A_73, %mul3A_536 : i32
      %swap3A = arith.index_cast %mul3A_537 : i32 to index
      %swap3A_538 = tpu.vector_load %arg8[%swap3A] {strides = array<i32>} : memref<8192xi32, #tpu.memory_space<vmem>>, vector<16xi32>,
      tpu.vector_store %arg8[%swap3A], %select_n3A_533 {strides = array<i32>} : memref<8192xi32, #tpu.memory_space<vmem>>, vector<16xi32>,
      %mul3A_539 = arith.constant 16 : i32
      %mul3A_540 = arith.muli %scan3A_73, %mul3A_539 : i32
      %add3A_541 = arith.constant 4096 : i32
      %add3A_542 = arith.addi %add3A_541, %mul3A_540 : i32
      %swap3A_543 = arith.index_cast %add3A_542 : i32 to index
      %swap3A_544 = tpu.vector_load %arg8[%swap3A_543] {strides = array<i32>} : memref<8192xi32, #tpu.memory_space<vmem>>, vector<16xi32>,
      tpu.vector_store %arg8[%swap3A_543], %select_n3A_535 {strides = array<i32>} : memref<8192xi32, #tpu.memory_space<vmem>>, vector<16xi32>,
      %scan3A_545 = arith.constant 0 : i32
      scf.yield %scan3A_545 : i32
    }
    %scan3A_53 = arith.constant 256 : i32
    "tpu.region"() ({
      %run_scoped3A = tpu.sem_alloc : memref<!tpu.dma_semaphore, #tpu.memory_space<semaphore_mem>>
      %dma_start3A = arith.constant 0 : i32
      %dma_start3A_73 = tpu.memref_slice %arg11[%arg1, %dma_start3A] : memref<16x8192xi32, #tpu.memory_space<vmem_shared>> -> memref<1x8192xi32, #tpu.memory_space<vmem_shared>>
      %dma_start3A_74 = tpu.memref_squeeze %dma_start3A_73 : memref<1x8192xi32, #tpu.memory_space<vmem_shared>> -> memref<8192xi32, #tpu.memory_space<vmem_shared>>
      %dma_start3A_75 = arith.constant 0 : i32
      %dma_start3A_76 = tpu.memref_slice %arg11[%arg1, %dma_start3A_75] : memref<16x8192xi32, #tpu.memory_space<vmem_shared>> -> memref<1x8192xi32, #tpu.memory_space<vmem_shared>>
      %dma_start3A_77 = tpu.memref_squeeze %dma_start3A_76 : memref<1x8192xi32, #tpu.memory_space<vmem_shared>> -> memref<8192xi32, #tpu.memory_space<vmem_shared>>
      tpu.enqueue_dma source(%arg8 : memref<8192xi32, #tpu.memory_space<vmem>>) target(%dma_start3A_77 : memref<8192xi32, #tpu.memory_space<vmem_shared>>) target_semaphore(%run_scoped3A : memref<!tpu.dma_semaphore, #tpu.memory_space<semaphore_mem>>)
      %dma_wait3A = arith.constant 0 : i32
      %dma_wait3A_78 = tpu.memref_slice %arg11[%arg1, %dma_wait3A] : memref<16x8192xi32, #tpu.memory_space<vmem_shared>> -> memref<1x8192xi32, #tpu.memory_space<vmem_shared>>
      %dma_wait3A_79 = tpu.memref_squeeze %dma_wait3A_78 : memref<1x8192xi32, #tpu.memory_space<vmem_shared>> -> memref<8192xi32, #tpu.memory_space<vmem_shared>>
      %dma_wait3A_80 = arith.constant 0 : i32
      %dma_wait3A_81 = tpu.memref_slice %arg11[%arg1, %dma_wait3A_80] : memref<16x8192xi32, #tpu.memory_space<vmem_shared>> -> memref<1x8192xi32, #tpu.memory_space<vmem_shared>>
      %dma_wait3A_82 = tpu.memref_squeeze %dma_wait3A_81 : memref<1x8192xi32, #tpu.memory_space<vmem_shared>> -> memref<8192xi32, #tpu.memory_space<vmem_shared>>
      tpu.wait_dma2 semaphore(%run_scoped3A : memref<!tpu.dma_semaphore, #tpu.memory_space<semaphore_mem>>) src(%arg8 : memref<8192xi32, #tpu.memory_space<vmem>>) dst(%dma_wait3A_82 : memref<8192xi32, #tpu.memory_space<vmem_shared>>)
      tpu.yield
    }) : () -> ()
    %barrier3A = arith.constant 0 : index
    tpu.barrier barrier_id(%barrier3A)
    %jit3A_54 = arith.constant 8 : i32
    %eq3A_55 = arith.constant 0 : i32
    %eq3A_56 = arith.cmpi eq, %jit3A_54, %eq3A_55 : i32
    %jit3A_57 = arith.constant 1 : i32
    %select_n3A_58 = arith.select %eq3A_56, %jit3A_57, %jit3A_54 : i32
    %rem3A_59 = arith.remsi %arg1, %select_n3A_58 : i32
    %ne3A_60 = arith.constant 0 : i32
    %ne3A_61 = arith.cmpi ne, %rem3A_59, %ne3A_60 : i32
    %lt3A_62 = arith.constant 0 : i32
    %lt3A_63 = arith.cmpi slt, %rem3A_59, %lt3A_62 : i32
    %lt3A_64 = arith.constant 0 : i32
    %lt3A_65 = arith.cmpi slt, %select_n3A_58, %lt3A_64 : i32
    %ne3A_66 = arith.xori %lt3A_63, %lt3A_65 : i1
    %and3A_67 = arith.andi %ne3A_66, %ne3A_61 : i1
    %add3A_68 = arith.addi %rem3A_59, %select_n3A_58 : i32
    %select_n3A_69 = arith.select %and3A_67, %add3A_68, %rem3A_59 : i32
    %eq3A_70 = arith.constant 0 : i32
    %eq3A_71 = arith.cmpi eq, %select_n3A_69, %eq3A_70 : i32
    %convert_element_type3A = arith.extui %eq3A_71 : i1 to i32
    %cond3A = arith.constant 0 : i32
    %cond3A_72 = arith.cmpi ne, %convert_element_type3A, %cond3A : i32
    scf.if %cond3A_72 {
      %scan3A_73 = arith.constant 0 : i32
      %scan3A_74 = arith.constant 1 : i32
      %scan3A_75 = arith.constant 7 : i32
      %scan3A_76 = arith.addi %scan3A_74, %scan3A_75 : i32
      %scan3A_77 = arith.constant 1 : i32
      %scan3A_78 = scf.for %scan3A_92 = %scan3A_74 to %scan3A_76 step %scan3A_77 iter_args(%scan3A_93 = %scan3A_73) -> (i32)  : i32 {
        %add3A_94 = arith.addi %arg1, %scan3A_92 : i32
        "tpu.region"() ({
          %run_scoped3A = tpu.sem_alloc : memref<!tpu.dma_semaphore, #tpu.memory_space<semaphore_mem>>
          %dma_start3A = arith.constant 0 : i32
          %dma_start3A_103 = tpu.memref_slice %arg11[%add3A_94, %dma_start3A] : memref<16x8192xi32, #tpu.memory_space<vmem_shared>> -> memref<1x8192xi32, #tpu.memory_space<vmem_shared>>
          %dma_start3A_104 = tpu.memref_squeeze %dma_start3A_103 : memref<1x8192xi32, #tpu.memory_space<vmem_shared>> -> memref<8192xi32, #tpu.memory_space<vmem_shared>>
          %dma_start3A_105 = arith.constant 0 : i32
          %dma_start3A_106 = tpu.memref_slice %arg11[%add3A_94, %dma_start3A_105] : memref<16x8192xi32, #tpu.memory_space<vmem_shared>> -> memref<1x8192xi32, #tpu.memory_space<vmem_shared>>
          %dma_start3A_107 = tpu.memref_squeeze %dma_start3A_106 : memref<1x8192xi32, #tpu.memory_space<vmem_shared>> -> memref<8192xi32, #tpu.memory_space<vmem_shared>>
          tpu.enqueue_dma source(%dma_start3A_107 : memref<8192xi32, #tpu.memory_space<vmem_shared>>) target(%arg9 : memref<8192xi32, #tpu.memory_space<vmem>>) target_semaphore(%run_scoped3A : memref<!tpu.dma_semaphore, #tpu.memory_space<semaphore_mem>>)
          %dma_wait3A = arith.constant 0 : i32
          %dma_wait3A_108 = tpu.memref_slice %arg11[%add3A_94, %dma_wait3A] : memref<16x8192xi32, #tpu.memory_space<vmem_shared>> -> memref<1x8192xi32, #tpu.memory_space<vmem_shared>>
          %dma_wait3A_109 = tpu.memref_squeeze %dma_wait3A_108 : memref<1x8192xi32, #tpu.memory_space<vmem_shared>> -> memref<8192xi32, #tpu.memory_space<vmem_shared>>
          %dma_wait3A_110 = arith.constant 0 : i32
          %dma_wait3A_111 = tpu.memref_slice %arg11[%add3A_94, %dma_wait3A_110] : memref<16x8192xi32, #tpu.memory_space<vmem_shared>> -> memref<1x8192xi32, #tpu.memory_space<vmem_shared>>
          %dma_wait3A_112 = tpu.memref_squeeze %dma_wait3A_111 : memref<1x8192xi32, #tpu.memory_space<vmem_shared>> -> memref<8192xi32, #tpu.memory_space<vmem_shared>>
          tpu.wait_dma2 semaphore(%run_scoped3A : memref<!tpu.dma_semaphore, #tpu.memory_space<semaphore_mem>>) src(%dma_wait3A_112 : memref<8192xi32, #tpu.memory_space<vmem_shared>>) dst(%arg9 : memref<8192xi32, #tpu.memory_space<vmem>>)
          tpu.yield
        }) : () -> ()
        %scan3A_95 = arith.constant 0 : i32
        %scan3A_96 = arith.constant 0 : i32
        %scan3A_97 = arith.constant 512 : i32
        %scan3A_98 = arith.addi %scan3A_96, %scan3A_97 : i32
        %scan3A_99 = arith.constant 1 : i32
        %scan3A_100 = scf.for %scan3A_103 = %scan3A_96 to %scan3A_98 step %scan3A_99 iter_args(%scan3A_104 = %scan3A_95) -> (i32)  : i32 {
          %mul3A_105 = arith.constant 16 : i32
          %mul3A_106 = arith.muli %scan3A_103, %mul3A_105 : i32
          %get3A = arith.index_cast %mul3A_106 : i32 to index
          %get3A_107 = tpu.vector_load %arg8[%get3A] {strides = array<i32>} : memref<8192xi32, #tpu.memory_space<vmem>>, vector<16xi32>,
          %mul3A_108 = arith.constant 16 : i32
          %mul3A_109 = arith.muli %scan3A_103, %mul3A_108 : i32
          %get3A_110 = arith.index_cast %mul3A_109 : i32 to index
          %get3A_111 = tpu.vector_load %arg9[%get3A_110] {strides = array<i32>} : memref<8192xi32, #tpu.memory_space<vmem>>, vector<16xi32>,
          %add3A_112 = arith.addi %get3A_107, %get3A_111 : vector<16xi32>
          %mul3A_113 = arith.constant 16 : i32
          %mul3A_114 = arith.muli %scan3A_103, %mul3A_113 : i32
          %swap3A_115 = arith.index_cast %mul3A_114 : i32 to index
          %swap3A_116 = tpu.vector_load %arg8[%swap3A_115] {strides = array<i32>} : memref<8192xi32, #tpu.memory_space<vmem>>, vector<16xi32>,
          tpu.vector_store %arg8[%swap3A_115], %add3A_112 {strides = array<i32>} : memref<8192xi32, #tpu.memory_space<vmem>>, vector<16xi32>,
          %scan3A_117 = arith.constant 0 : i32
          scf.yield %scan3A_117 : i32
        }
        %scan3A_101 = arith.constant 512 : i32
        %scan3A_102 = arith.constant 0 : i32
        scf.yield %scan3A_102 : i32
      }
      %scan3A_79 = arith.constant 7 : i32
      %broadcast_in_dim3A_80 = arith.constant 0.000000e+00 : f32
      %broadcast_in_dim3A_81 = vector.broadcast %broadcast_in_dim3A_80 : f32 to vector<16xf32>
      %scan3A_82 = arith.constant 2.621440e+05 : f32
      %scan3A_83 = arith.constant 0.000000e+00 : f32
      %scan3A_84 = arith.constant 0.000000e+00 : f32
      %scan3A_85 = arith.constant 0 : i32
      %scan3A_86 = arith.constant 256 : i32
      %scan3A_87 = arith.addi %scan3A_85, %scan3A_86 : i32
      %scan3A_88 = arith.constant 1 : i32
      %scan3A_89:3 = scf.for %scan3A_92 = %scan3A_85 to %scan3A_87 step %scan3A_88 iter_args(%scan3A_93 = %scan3A_83, %scan3A_94 = %scan3A_84, %scan3A_95 = %broadcast_in_dim3A_81) -> (f32, f32, vector<16xf32>)  : i32 {
        %sub3A_96 = arith.constant 255 : i32
        %sub3A_97 = arith.subi %sub3A_96, %scan3A_92 : i32
        %mul3A_98 = arith.constant 16 : i32
        %mul3A_99 = arith.muli %sub3A_97, %mul3A_98 : i32
        %get3A = arith.index_cast %mul3A_99 : i32 to index
        %get3A_100 = tpu.vector_load %arg8[%get3A] {strides = array<i32>} : memref<8192xi32, #tpu.memory_space<vmem>>, vector<16xi32>,
        %convert_element_type3A_101 = arith.sitofp %get3A_100 : vector<16xi32> to vector<16xf32>
        %mul3A_102 = arith.constant 16 : i32
        %mul3A_103 = arith.muli %sub3A_97, %mul3A_102 : i32
        %add3A_104 = arith.constant 4096 : i32
        %add3A_105 = arith.addi %add3A_104, %mul3A_103 : i32
        %get3A_106 = arith.index_cast %add3A_105 : i32 to index
        %get3A_107 = tpu.vector_load %arg8[%get3A_106] {strides = array<i32>} : memref<8192xi32, #tpu.memory_space<vmem>>, vector<16xi32>,
        %convert_element_type3A_108 = arith.sitofp %get3A_107 : vector<16xi32> to vector<16xf32>
        %rev3A = arith.constant 15 : i32
        %rev3A_109 = vector.broadcast %rev3A : i32 to vector<16xi32>
        %rev3A_110 = tpu.iota {dimensions = array<i32: 0>} : vector<16xi32>
        %rev3A_111 = arith.subi %rev3A_109, %rev3A_110 : vector<16xi32>
        %rev3A_112 = tpu.dynamic_gather %convert_element_type3A_101[%rev3A_111] in [0] : vector<16xf32>, vector<16xi32> -> vector<16xf32>
        %rev3A_113 = arith.constant 15 : i32
        %rev3A_114 = vector.broadcast %rev3A_113 : i32 to vector<16xi32>
        %rev3A_115 = tpu.iota {dimensions = array<i32: 0>} : vector<16xi32>
        %rev3A_116 = arith.subi %rev3A_114, %rev3A_115 : vector<16xi32>
        %rev3A_117 = tpu.dynamic_gather %convert_element_type3A_108[%rev3A_116] in [0] : vector<16xf32>, vector<16xi32> -> vector<16xf32>
        %mul3A_118 = arith.constant 16 : i32
        %mul3A_119 = arith.muli %sub3A_97, %mul3A_118 : i32
        %add3A_120 = arith.constant 15 : i32
        %add3A_121 = arith.addi %mul3A_119, %add3A_120 : i32
        %sub3A_122 = vector.broadcast %add3A_121 : i32 to vector<16xi32>
        %sub3A_123 = arith.subi %sub3A_122, %iota3A : vector<16xi32>
        %convert_element_type3A_124 = arith.sitofp %sub3A_123 : vector<16xi32> to vector<16xf32>
        %add3A_125 = arith.constant 5.000000e-01 : f32
        %add3A_126 = vector.broadcast %add3A_125 : f32 to vector<16xf32>
        %add3A_127 = arith.addf %convert_element_type3A_124, %add3A_126 : vector<16xf32>
        %mul3A_128 = arith.constant 0.001953125 : f32
        %mul3A_129 = vector.broadcast %mul3A_128 : f32 to vector<16xf32>
        %mul3A_130 = arith.mulf %add3A_127, %mul3A_129 : vector<16xf32>
        %broadcast_in_dim3A_131 = arith.constant true
        %broadcast_in_dim3A_132 = vector.broadcast %broadcast_in_dim3A_131 : i1 to vector<16xi1>
        %masked_cumsum3A = tpu.scan <sum>, %rev3A_112 masked %broadcast_in_dim3A_132 : vector<16xf32>, vector<16xi1> -> vector<16xf32>
        %add3A_133 = vector.broadcast %scan3A_93 : f32 to vector<16xf32>
        %add3A_134 = arith.addf %add3A_133, %masked_cumsum3A : vector<16xf32>
        %sub3A_135 = arith.subf %add3A_134, %rev3A_112 : vector<16xf32>
        %broadcast_in_dim3A_136 = arith.constant true
        %broadcast_in_dim3A_137 = vector.broadcast %broadcast_in_dim3A_136 : i1 to vector<16xi1>
        %masked_cumsum3A_138 = tpu.scan <sum>, %rev3A_117 masked %broadcast_in_dim3A_137 : vector<16xf32>, vector<16xi1> -> vector<16xf32>
        %add3A_139 = vector.broadcast %scan3A_94 : f32 to vector<16xf32>
        %add3A_140 = arith.addf %add3A_139, %masked_cumsum3A_138 : vector<16xf32>
        %sub3A_141 = arith.subf %add3A_140, %rev3A_117 : vector<16xf32>
        %add3A_142 = vector.broadcast %scan3A_82 : f32 to vector<16xf32>
        %add3A_143 = arith.addf %add3A_142, %sub3A_135 : vector<16xf32>
        %add3A_144 = arith.addf %add3A_143, %rev3A_112 : vector<16xf32>
        %div3A_145 = arith.divf %rev3A_117, %add3A_143 : vector<16xf32>
        %sub3A_146 = vector.broadcast %scan3A_82 : f32 to vector<16xf32>
        %sub3A_147 = arith.subf %sub3A_146, %sub3A_141 : vector<16xf32>
        %sub3A_148 = arith.subf %sub3A_147, %rev3A_117 : vector<16xf32>
        %mul3A_149 = arith.mulf %sub3A_148, %rev3A_112 : vector<16xf32>
        %mul3A_150 = arith.mulf %add3A_143, %add3A_144 : vector<16xf32>
        %div3A_151 = arith.divf %mul3A_149, %mul3A_150 : vector<16xf32>
        %add3A_152 = arith.addf %div3A_145, %div3A_151 : vector<16xf32>
        %mul3A_153 = arith.mulf %mul3A_130, %add3A_152 : vector<16xf32>
        %reduce_sum3A = arith.constant true
        %reduce_sum3A_154 = vector.broadcast %reduce_sum3A : i1 to vector<16xi1>
        %reduce_sum3A_155 = tpu.scan <sum>, %rev3A_112 masked %reduce_sum3A_154 : vector<16xf32>, vector<16xi1> -> vector<16xf32>
        %reduce_sum3A_156 = vector.extract %reduce_sum3A_155[15] : f32 from vector<16xf32>
        %add3A_157 = arith.addf %scan3A_93, %reduce_sum3A_156 : f32
        %reduce_sum3A_158 = arith.constant true
        %reduce_sum3A_159 = vector.broadcast %reduce_sum3A_158 : i1 to vector<16xi1>
        %reduce_sum3A_160 = tpu.scan <sum>, %rev3A_117 masked %reduce_sum3A_159 : vector<16xf32>, vector<16xi1> -> vector<16xf32>
        %reduce_sum3A_161 = vector.extract %reduce_sum3A_160[15] : f32 from vector<16xf32>
        %add3A_162 = arith.addf %scan3A_94, %reduce_sum3A_161 : f32
        %add3A_163 = arith.addf %scan3A_95, %mul3A_153 : vector<16xf32>
        scf.yield %add3A_157, %add3A_162, %add3A_163 : f32, f32, vector<16xf32>
      }
      %scan3A_90 = arith.constant 256 : i32
      %swap3A = arith.constant 0 : index
      %swap3A_91 = tpu.vector_load %arg10[%swap3A] {strides = array<i32>} : memref<16xf32, #tpu.memory_space<vmem>>, vector<16xf32>,
      tpu.vector_store %arg10[%swap3A], %scan3A_89#2 {strides = array<i32>} : memref<16xf32, #tpu.memory_space<vmem>>, vector<16xf32>,
      "tpu.region"() ({
        %run_scoped3A = tpu.sem_alloc : memref<!tpu.dma_semaphore, #tpu.memory_space<semaphore_mem>>
        %dma_start3A = arith.constant 0 : i32
        %dma_start3A_92 = tpu.memref_slice %arg4[%add3A, %dma_start3A] : memref<4x16xf32, #tpu.memory_space<hbm>> -> memref<1x16xf32, #tpu.memory_space<hbm>>
        %dma_start3A_93 = tpu.memref_squeeze %dma_start3A_92 : memref<1x16xf32, #tpu.memory_space<hbm>> -> memref<16xf32, #tpu.memory_space<hbm>>
        %dma_start3A_94 = arith.constant 0 : i32
        %dma_start3A_95 = tpu.memref_slice %arg4[%add3A, %dma_start3A_94] : memref<4x16xf32, #tpu.memory_space<hbm>> -> memref<1x16xf32, #tpu.memory_space<hbm>>
        %dma_start3A_96 = tpu.memref_squeeze %dma_start3A_95 : memref<1x16xf32, #tpu.memory_space<hbm>> -> memref<16xf32, #tpu.memory_space<hbm>>
        tpu.enqueue_dma source(%arg10 : memref<16xf32, #tpu.memory_space<vmem>>) target(%dma_start3A_96 : memref<16xf32, #tpu.memory_space<hbm>>) target_semaphore(%run_scoped3A : memref<!tpu.dma_semaphore, #tpu.memory_space<semaphore_mem>>)
        %dma_wait3A = arith.constant 0 : i32
        %dma_wait3A_97 = tpu.memref_slice %arg4[%add3A, %dma_wait3A] : memref<4x16xf32, #tpu.memory_space<hbm>> -> memref<1x16xf32, #tpu.memory_space<hbm>>
        %dma_wait3A_98 = tpu.memref_squeeze %dma_wait3A_97 : memref<1x16xf32, #tpu.memory_space<hbm>> -> memref<16xf32, #tpu.memory_space<hbm>>
        %dma_wait3A_99 = arith.constant 0 : i32
        %dma_wait3A_100 = tpu.memref_slice %arg4[%add3A, %dma_wait3A_99] : memref<4x16xf32, #tpu.memory_space<hbm>> -> memref<1x16xf32, #tpu.memory_space<hbm>>
        %dma_wait3A_101 = tpu.memref_squeeze %dma_wait3A_100 : memref<1x16xf32, #tpu.memory_space<hbm>> -> memref<16xf32, #tpu.memory_space<hbm>>
        tpu.wait_dma2 semaphore(%run_scoped3A : memref<!tpu.dma_semaphore, #tpu.memory_space<semaphore_mem>>) src(%arg10 : memref<16xf32, #tpu.memory_space<vmem>>) dst(%dma_wait3A_101 : memref<16xf32, #tpu.memory_space<hbm>>)
        tpu.yield
      }) : () -> ()
    } else {
    }
    return
  }
}

</mosaic_0001>

<sc_bundles>
// kernel: kernel.3.cloned.1.call-start
scs
__scs_entry_jumppad:
0x0: {  	(pc) =	sbr.rel $0x88, $3  }
0x1: {  	(tag) =	ssettag $0x0;
	lr =	simm.s32 $0x1  }
0x2: {  	[smem:$0x3F9F] =	sst lr;
	_ =	strace $0xD0000000  }
0x3: {  	_ = 	snop  }
0x4: {  	_ = 	snop  }
0x5: {  	_ = 	snop  }
0x6: {  	_ = 	snop  }
0x7: {  	_ = 	snop  }
__scs_overlays_trampoline_lowered:
0x8: {  	[smem:$0x3FAE] =	sst s0  }
0x9: {  	[smem:$0x3FAF] =	sst s1  }
0xa: {  	[smem:$0x3FB0] =	sst s2  }
0xb: {  	[smem:$0x3FB1] =	sst s3  }
0xc: {  	[smem:$0x3FB2] =	sst s4  }
0xd: {  	[smem:$0x3FB3] =	sst s5  }
0xe: {  	[smem:$0x3FB4] =	sst s6  }
0xf: {  	[smem:$0x3FB5] =	sst s7  }
0x10: {  	[smem:$0x3FB6] =	sst s8  }
0x11: {  	[smem:$0x3FB7] =	sst s9;
	s0 =	simm.s32 @!p0 $0x0  }
0x12: {  	s1 =	sld [smem:$0x3F9D];
	s0 =	simm.s32 @p0 $0x1  }
0x13: {  	[smem:$0x3FB8] =	sst s0;
	s0 =	simm.s32 @!p1 $0x0  }
0x14: {  	s2 =	sld [smem:$0x3F9C];
	s0 =	simm.s32 @p1 $0x1  }
0x15: {  	[smem:$0x3FB9] =	sst s0;
	s0 =	simm.s32 @!p2 $0x0  }
0x16: {  	s3 =	sld [smem:$0x3FDB];
	s0 =	simm.s32 @p2 $0x1  }
0x17: {  	s4 =	simm.s32 $0x1BF5;
	[smem:$0x3FBB] =	sst s0  }
0x18: {  	s0 =	sld [smem:$0x3F9E];
	_ =	swait.ge [sflag:s4], $0x0  }
0x19: {  	s7 =	sld [smem:$0x3F9F]  }
0x1a: {  	s8 =	sadd.s32 $0xFFFFE003, lr  }
0x1b: {  	s9 =	sadd.s32 $0xFFFFFEF7, lr;
	s5 =	simm.s32 $0xFFFFFFFF;
	p2 =	slt.u32 s8, $0xFFFFF086  }
0x1c: {  	p1 =	slt.u32 s9, $0xF7A;
	s5 =	simm.s32 @!p2 $0x0  }
0x1d: {  	s5 =	simm.s32 @p1 $0x1;
	p0 =	seq.s32 s7, s2  }
0x1e: {  	s7 =	smul.u32 @!p0 $0xF7A, s2;
	p2 =	seq.s32 @!p0 s5, $0x0  }
0x1f: {  	s9 =	smul.u32 $0xF7A, s1;
	s8 =	simm.s32 @!p0 $0x1BF5;
	p2 =	por !p2, p0  }
0x20: {  	[sflag:s8] =	ssyncset.s32 @!p0 $0xFFFFF086;
	s6 =	sadd.s32 @!p0 s3, s7;
	s7 =	simm.s32 @!p0 $0x108  }
0x21: {  	s3 =	sadd.s32 s3, s9;
	s6 =	sadd.s32 @!p0 $0x88, s6;
	s7 =	simm.s32 @p2 $0x1082  }
0x22: {  	[simem:s7], [sflag:s8] =	dma.local @!p0 [hbm:s6], $0xF7A  }
0x23: {  	s9 =	sor.u32 $0xD0000000, s2;
	s6 =	simm.s32 $0x108;
	_ =	swait.ge @!p0 [sflag:s8], $0x0  }
0x24: {  	s3 =	sadd.s32 $0x88, s3;
	s6 =	simm.s32 @!p1 $0x1082;
	[sflag:s4] =	ssyncset.s32 $0xFFFFF086  }
0x25: {  	[simem:s6], [sflag:s4] =	dma.local [hbm:s3], $0xF7A  }
0x26: {  	[smem:$0x3F9F] =	sst s1;
	(tag) =	ssettag s2;
	_ =	strace s9  }
0x27: {  	s1 =	sld [smem:$0x3FAF]  }
0x28: {  	s2 =	sld [smem:$0x3FB0]  }
0x29: {  	s4 =	sld [smem:$0x3FB2]  }
0x2a: {  	p0 =	seq.s32 s5, $0x0;
	s5 =	sld [smem:$0x3FB3]  }
0x2b: {  	s6 =	sld [smem:$0x3FB4]  }
0x2c: {  	s7 =	sld [smem:$0x3FB5]  }
0x2d: {  	s3 =	simm.s32 $0x108;
	s8 =	sld [smem:$0x3FB6]  }
0x2e: {  	s3 =	simm.s32 @!p0 $0x1082;
	s9 =	sld [smem:$0x3FB7]  }
0x2f: {  	lr =	sadd.s32 s0, s3;
	s0 =	sld [smem:$0x3FAE]  }
0x30: {  	s3 =	sld [smem:$0x3FB1]  }
0x31: {  	[smem:$0x3FBA] =	sst s10  }
0x32: {  	s10 =	sld [smem:$0x3FB8];
	_ =	sdelay $0x3  }
0x33: {  	p0 =	seq.s32 s10, $0x1;
	s10 =	sld [smem:$0x3FBA];
	_ =	sdelay $0x3  }
0x34: {  	[smem:$0x3FBA] =	sst s10  }
0x35: {  	s10 =	sld [smem:$0x3FB9];
	_ =	sdelay $0x3  }
0x36: {  	p1 =	seq.s32 s10, $0x1;
	s10 =	sld [smem:$0x3FBA];
	_ =	sdelay $0x3  }
0x37: {  	[smem:$0x3FBA] =	sst s10  }
0x38: {  	s10 =	sld [smem:$0x3FBB]  }
0x39: {  	_ = 	snop;
	(pc) =	sbr.ind lr, $3  }
0x3a: {  	_ = 	snop  }
0x3b: {  	_ = 	snop  }
0x3c: {  	p2 =	seq.s32 s10, $0x1;
	s10 =	sld [smem:$0x3FBA]  }
0x3d: {  	_ =	shalt  }
0x3e: {  	_ =	shalt  }
0x3f: {  	_ =	shalt  }
0x40: {  	_ =	shalt  }
0x41: {  	_ =	shalt  }
0x42: {  	_ =	shalt  }
0x43: {  	_ =	shalt  }
0x44: {  	_ =	shalt  }
0x45: {  	_ =	shalt  }
0x46: {  	_ =	shalt  }
0x47: {  	_ =	shalt  }
0x48: {  	_ =	shalt  }
0x49: {  	_ =	shalt  }
0x4a: {  	_ =	shalt  }
0x4b: {  	_ =	shalt  }
0x4c: {  	_ =	shalt  }
0x4d: {  	_ =	shalt  }
0x4e: {  	_ =	shalt  }
0x4f: {  	_ =	shalt  }
0x50: {  	_ =	shalt  }
0x51: {  	_ =	shalt  }
0x52: {  	_ =	shalt  }
0x53: {  	_ =	shalt  }
0x54: {  	_ =	shalt  }
0x55: {  	_ =	shalt  }
0x56: {  	_ =	shalt  }
0x57: {  	_ =	shalt  }
0x58: {  	_ =	shalt  }
0x59: {  	_ =	shalt  }
0x5a: {  	_ =	shalt  }
0x5b: {  	_ =	shalt  }
0x5c: {  	_ =	shalt  }
0x5d: {  	_ =	shalt  }
0x5e: {  	_ =	shalt  }
0x5f: {  	_ =	shalt  }
0x60: {  	_ =	shalt  }
0x61: {  	_ =	shalt  }
0x62: {  	_ =	shalt  }
0x63: {  	_ =	shalt  }
0x64: {  	_ =	shalt  }
0x65: {  	_ =	shalt  }
0x66: {  	_ =	shalt  }
0x67: {  	_ =	shalt  }
0x68: {  	_ =	shalt  }
0x69: {  	_ =	shalt  }
0x6a: {  	_ =	shalt  }
0x6b: {  	_ =	shalt  }
0x6c: {  	_ =	shalt  }
0x6d: {  	_ =	shalt  }
0x6e: {  	_ =	shalt  }
0x6f: {  	_ =	shalt  }
0x70: {  	_ =	shalt  }
0x71: {  	_ =	shalt  }
0x72: {  	_ =	shalt  }
0x73: {  	_ =	shalt  }
0x74: {  	_ =	shalt  }
0x75: {  	_ =	shalt  }
0x76: {  	_ =	shalt  }
0x77: {  	_ =	shalt  }
0x78: {  	_ =	shalt  }
0x79: {  	_ =	shalt  }
0x7a: {  	_ =	shalt  }
0x7b: {  	_ =	shalt  }
0x7c: {  	_ =	shalt  }
0x7d: {  	_ =	shalt  }
0x7e: {  	_ =	shalt  }
0x7f: {  	_ =	shalt  }
0x80: {  	_ =	shalt  }
0x81: {  	_ =	shalt  }
0x82: {  	_ =	shalt  }
0x83: {  	_ =	shalt  }
0x84: {  	_ =	shalt  }
0x85: {  	_ =	shalt  }
0x86: {  	_ =	shalt  }
0x87: {  	_ =	shalt  }
.Lfunc_end0:
.L_simem_size_0:
called_computation_lowered:
.L_overlay_start_0:
0x88: {  	s2 =	sld [smem:$0x3FD9]  }
0x89: {  	s3 =	sld [smem:$0x3FFE];
	_ =	sdelay $0x1  }
0x8a: {  	s1 =	srdreg.scid  }
0x8b: {  	s0 =	sand.u32 $0x1, s1  }
0x8c: {  	s16 =	sshll.u32 s0, $0xA;
	s2 =	sadd.s32 s3, s2  }
0x8d: {  	s2 =	sadd.s32 s2, s16  }
0x8e: {  	[smem:$0x3FC6] =	sst s2  }
0x8f: {  	_ = 	snop  }
0x90: {  	(tm) =	ssettm $0x1  }
0x91: {  	s17 =	sld [smem:$0x3FFB];
	_ =	sdelay $0x3  }
0x92: {  	_ =	strace s17  }
0x93: {  	s2 =	sld [smem:$0x3FFC];
	_ =	sdelay $0x3  }
0x94: {  	_ =	strace s2  }
0x95: {  	s2 =	sld [smem:$0x3FFD];
	_ =	sdelay $0x3  }
0x96: {  	_ =	strace s2  }
0x97: {  	_ =	strace $0x8FFFFFFF  }
0x98: {  	s18 =	sld [smem:$0x3FDB];
	_ =	sdelay $0x1  }
0x99: {  	s19 =	simm.s32 $_scs_section_size  }
0x9a: {  	s4 =	simm.s32 $_size__tile_overlayer_lowered;
	s5 =	simm.s32 $_tile_overlayer_lowered  }
0x9b: {  	s22 =	simm.s32 $0x1BFF;
	s21 =	sshll.u32 s5, $0x1;
	s2 =	sadd.s32 s19, s18  }
0x9c: {  	s6 =	simm.s32 $0x0;
	s20 =	sshll.u32 s4, $0x1;
	s4 =	sadd.s32 s21, s2  }
0x9d: {  	[timem:s6], [sflag:s22] =	dma.local [hbm:s4], s20  }
0x9e: {  	_ =	swait.ge [sflag:s22], s20  }
0x9f: {  	s3 =	ssub.s32 $0x0, s20;
	[sflag:s22] =	ssyncset.done $0x0  }
0xa0: {  	[sflag:s22] =	ssyncadd.s32 s3;
	_ =	sdelay $0x1  }
0xa1: {  	s23 =	simm.s32 $0x1B8B  }
0xa2: {  	_ =	swait.ge [sflag:s23], $0x1  }
0xa3: {  	[sflag:s23] =	ssyncset.done $0x0  }
0xa4: {  	s25 =	simm.s32 $0x1B8E;
	s24 =	sld [smem:$0x3FFE];
	[sflag:s23] =	ssyncadd.s32 $0xFFFFFFFF  }
0xa5: {  	s26 =	simm.s32 $execute0_lowered;
	[smem:$0x3FD2] =	sst s25  }
0xa6: {  	s4 =	sshll.u32 s26, $0x1;
	_ =	strace $0x80000046;
	[dreg:$0x1] =	wrdreg $0xFFFFFFFF  }
0xa7: {  	s28 =	simm.s32 $_size_execute0_lowered;
	s2 =	sadd.s32 s2, s4;
	[dreg:$0x0] =	wrdreg $0x0  }
0xa8: {  	s4 =	sshll.u32 s28, $0x1;
	[dreg:$0x2] =	wrdreg s2  }
0xa9: {  	[dreg:$0x3] =	wrdreg s4  }
0xaa: {  	[dreg:$0x4] =	wrdreg $0xC0  }
0xab: {  	_ =	task [dreg:s6], $0x5FFFF  }
0xac: {  	[dreg:$0x1] =	wrdreg $0xFFFFFFFF  }
0xad: {  	[dreg:$0x0] =	wrdreg $0x60  }
0xae: {  	[dreg:$0x2] =	wrdreg s24  }
0xaf: {  	[dreg:$0x3] =	wrdreg $0x1A4800  }
0xb0: {  	[dreg:$0x4] =	wrdreg $0x9  }
0xb1: {  	_ =	task.clear_ibuf [dreg:s6], $0x5FFFF;
	_ =	strace $0x90000046  }
0xb2: {  	s29 =	simm.s32 $0x9;
	_ =	strace $0x80000048  }
0xb3: {  	_ =	swait.ge [sflag:s29], $0x1  }
0xb4: {  	[sflag:s29] =	ssyncadd.s32 $0xFFFFFFFF  }
0xb5: {  	_ =	strace $0x90000048  }
0xb6: {  	_ =	sfence  }
0xb7: {  	s30 =	sld [smem:$0x0];
	_ =	sdelay $0x2  }
0xb8: {  	s31 =	sshll.u32 s1, $0xD;
	s1 =	sshrl.u32 s1, $0x2  }
0xb9: {  	s3 =	sand.u32 $0x4000, s31;
	s1 =	sadd.s32 s1, s30  }
0xba: {  	s0 =	sor.u32 s3, s0;
	s1 =	sshll.u32 s1, $0x11  }
0xbb: {  	s0 =	sor.u32 s1, s0  }
0xbc: {  	s0 =	sadd.s32 $0x8F2B, s0  }
0xbd: {  	[sflag:s0] =	ssyncadd.remote.s32 $0x1  }
0xbe: {  	_ =	sfence.sel $0xFFFF  }
0xbf: {  	[dreg:$0x0] =	wrdreg $0xFFFFFFFF;
	(pc) =	sbr.abs _section_cstart, $3  }
0xc0: {  	[dreg:$0x1] =	wrdreg $0xFFFFFFFF  }
0xc1: {  	_ =	task.clear_ibuf [dreg:s6], $0x2FFFF;
	_ =	strace $0x9FFFFFFF  }
0xc2: {  	(tm) =	ssettm $0x7FFFFFFF  }
0xc3: {  	_ =	shalt  }
tec
execute0_lowered:
.L_overlay_start_1:
0x0: {  	(tag) =	ssettag $0x1  }
0x1: {  	s0 =	srdreg.scid  }
0x2: {  	s2 =	rddreg [dreg:$0x0];
	s10 =	stileid.u32  }
0x3: {  	s1 =	rddreg [dreg:$0x1];
	s5 =	simm.s32 $0x0;
	s17 =	simm.s32 $0x80  }
0x4: {  	s18 =	simm.s32 $0x200;
	s19 =	simm.s32 $0x1;
	s20 =	simm.s32 $0x2000  }
0x5: {  	s21 =	simm.s32 $0x200000;
	s22 =	simm.s32 $0x6400;
	s24 =	simm.s32 $0x16400  }
0x6: {  	s25 =	simm.s32 $0x18400;
	s28 =	simm.s32 $0x0;
	s0 =	sand.u32 $0x1, s0  }
0x7: {  	s4 =	sshrl.u32 s10, $0x3;
	[smem:$0x7FF] =	sst s5;
	s23 =	sand.u32 $0x7, s10  }
0x8: {  	s9 =	sshll.u32 s10, $0xD;
	s10 =	sshll.u32 s10, $0x7;
	s3 =	sshll.u32 s0, $0x1  }
0x9: {  	_ =	strace $0x80000047;
	s0 =	ssub.s32 $0x2, s0;
	s7 =	sand.u32 $0x10000, s9  }
0xa: {  	s30 =	sand.u32 $0x380, s10;
	p0 =	sne.s32 s23, $0x0;
	s3 =	sor.u32 s4, s3  }
0xb: {  	s29 =	sshrl.u32 s0, $0x1;
	s7 =	sadd.s32 s7, s1;
	s1 =	sadd.s32 s9, s1  }
0xc: {  	s4 =	smul.u32 $0xC0000, s3;
	s26 =	sshll.u32 s3, $0x4;
	s0 =	ssub.s32 s0, s29  }
0xd: {  	v0 =	vimm.s32 $0x0;
	s5 =	sshll.u32 s3, $0x7;
	s7 =	sadd.s32 s30, s7;
	s10 =	sadd.s32 $0x80, s1  }
.Ltmp0:
0xe: {  	v1 =	vimm.s32 $0x1;
	v2 =	vlaneseq.u32;
	vm0 =	vmmov $0x1;
	s11 =	sadd.s32 $0x100, s1;
	s12 =	sadd.s32 $0x180, s1;
	(pc) =	sbr.rel .LBB2_1-.Ltmp0, $4  }
0xf: {  	vm1 =	vmmov $0x3;
	vm2 =	vmmov $0x7;
	vm3 =	vmmov $0xf;
	s13 =	sadd.s32 $0x200, s1;
	s14 =	sadd.s32 $0x280, s1;
	s15 =	sadd.s32 $0x300, s1  }
0x10: {  	vm4 =	vmmov $0x1f;
	vm5 =	vmmov $0x3f;
	vm6 =	vmmov $0x7f;
	s16 =	sadd.s32 $0x380, s1;
	s8 =	sadd.s32 s26, s2;
	s9 =	smax.u32 s0, $0x1  }
0x11: {  	vm7 =	vmmov $0xff;
	vm10 =	vmmov $0x1ff;
	vm11 =	vmmov $0x3ff;
	s6 =	sadd.s32 s4, s2;
	s4 =	sshll.u32 s23, $0xF;
	s31 =	sadd.s32 $0x320000, s8  }
0x12: {  	vm12 =	vmmov $0x1fff;
	vm13 =	vmmov $0x3fff;
	vm14 =	vmmov $0x7fff;
	s23 =	simm.s32 $0x400;
	s6 =	sadd.s32 $0x20000, s6;
	[dreg:$0x3] =	wrdreg s31  }
.LBB2_26:
0x13: {  	_ =	sdelay $0x1  }
0x14: {  	v8, _, _ =	vpop (xrf2)  }
0x15: {  	(v2sf) =	vpush v8, $0xF;
	_ =	sdelay $0x2  }
0x16: {  	s3 =	spop (v2sf)  }
0x17: {  	s1 =	sadd.f32 s3, s1;
	s31 =	spop (v2sf)  }
0x18: {  	s8 =	spop (v2sf)  }
0x19: {  	v9 =	vadd.f32 s1, v18;
	s1 =	sadd.f32 s8, s1  }
0x1a: {  	(xrf2) =	vadd.scan.msk.f32 $0xffff, v14;
	v30, _, _ =	vpop (xrf2)  }
0x1b: {  	v9 =	vsub.f32 v9, v6;
	v24 =	vadd.f32 s1, v30  }
0x1c: {  	v23 =	vadd.f32 v20, v3  }
0x1d: {  	v19 =	vmul.f32 v19, v22;
	v9 =	vadd.f32 $2.621440000e+05, v9;
	v24 =	vsub.f32 v24, v12  }
0x1e: {  	v31 =	vpop (erf);
	(erf) = vrcp.f32 v20;
	v23 =	vmul.f32 v23, v20  }
0x1f: {  	v13 =	vcvt.s32.f32 v13;
	v32 =	vadd.f32 v9, v6;
	v34 =	vadd.f32 $2.621440000e+05, v24  }
0x20: {  	v21 =	vadd.f32 $2.621440000e+05, v21;
	v15 =	vcvt.s32.f32 v15;
	(erf) = vrcp.f32 v23  }
0x21: {  	v7 =	vmul.f32 v31, v7;
	v33 =	vpop (erf);
	s0 =	sadd.f32 s31, s0;
	v20 =	vmul.f32 v32, v9;
	v35 =	vadd.f32 v34, v12  }
0x22: {  	v17 =	vmul.f32 v33, v17;
	v36 =	vsub.f32 v21, v4;
	(erf) = vrcp.f32 v9;
	s8 =	spop (v2sf)  }
0x23: {  	v8 =	vadd.f32 s0, v8;
	(erf) = vrcp.f32 v20;
	s0 =	sadd.f32 s8, s0;
	v9 =	vmul.f32 v35, v34  }
0x24: {  	v13 =	vadd.f32 $5.000000000e-01, v13;
	v44 =	vadd.f32 $5.000000000e-01, v15;
	v37, _, _ =	vpop (xrf2);
	(erf) = vrcp.f32 v34  }
0x25: {  	v8 =	vsub.f32 v10, v8;
	v38 =	vadd.f32 s0, v37;
	(erf) = vrcp.f32 v9  }
0x26: {  	v48 =	vcvt.s32.f32 v11;
	v7 =	vadd.f32 v17, v7;
	(v2sf) =	vpush v30, $0xF  }
0x27: {  	v54 =	vcvt.s32.f32 v16;
	v8 =	vadd.f32 $2.621440000e+05, v8;
	v41 =	vsub.f32 v14, v38  }
0x28: {  	v3 =	vmul.f32 v36, v3;
	v39 =	vmul.f32 $1.953125000e-03, v13;
	v40 =	vpop (erf);
	(v2sf) =	vpush v37, $0xF  }
0x29: {  	v50 =	vmul.f32 $1.953125000e-03, v44;
	v8 =	vsub.f32 v8, v10;
	v42 =	vpop (erf);
	v45 =	vadd.f32 $2.621440000e+05, v41  }
0x2a: {  	v5 =	vadd.f32 v19, v5;
	v43 =	vmul.f32 v40, v4;
	v3 =	vmul.f32 v42, v3  }
0x2b: {  	v7 =	vmul.f32 v7, v39;
	v47 =	vmul.f32 v8, v6;
	v46 =	vpop (erf);
	v51 =	vsub.f32 v45, v14  }
0x2c: {  	v8 =	vadd.f32 $5.000000000e-01, v48;
	v3 =	vadd.f32 v3, v43;
	v52 =	vmul.f32 v46, v10;
	v49 =	vpop (erf)  }
0x2d: {  	v60 =	vadd.f32 $5.000000000e-01, v54;
	v6 =	vmul.f32 v49, v47;
	v55 =	vpop (erf);
	v53 =	vmul.f32 v51, v12  }
0x2e: {  	v5 =	vadd.f32 v7, v5;
	v57 =	vmul.f32 $1.953125000e-03, v8;
	v3 =	vmul.f32 v3, v50;
	v58 =	vpop (erf)  }
0x2f: {  	v56 =	vadd.f32 v6, v52;
	v59 =	vmul.f32 v55, v14;
	v7 =	vmul.f32 v58, v53  }
0x30: {  	v62 =	vmul.f32 $1.953125000e-03, v60  }
0x31: {  	v3 =	vadd.f32 v3, v5;
	v4 =	vmul.f32 v56, v57;
	v61 =	vadd.f32 v7, v59;
	_ =	sdelay $0x1  }
0x32: {  	v3 =	vadd.f32 v4, v3;
	v63 =	vmul.f32 v61, v62;
	_ =	sdelay $0x1  }
0x33: {  	v3 =	vadd.f32 v63, v3  }
0x34: {  	s30 =	rddreg [dreg:$0x3];
	s26 =	spop (v2sf)  }
0x35: {  	s31 =	simm.s32 $0x1A400;
	s0 =	simm.s32 $0x0;
	s29 =	spop (v2sf);
	[tilespmem:$0x1A400] =	vst v3  }
0x36: {  	[hbm4b:s30+s0] =	stream.linear.scatter [tilespmem:s31], [sflag:$0x1], $0x80, $0x38;
	[tilespmem:$0x1C480] =	vst v63  }
0x37: {  	_ =	swait.ge [sflag:s19], $0x80  }
0x38: {  	[sflag:s19] =	ssyncset.done $0x0  }
0x39: {  	[sflag:s19] =	ssyncadd.s32 $0xFFFFFF80  }
.LBB2_27:
0x3a: {  	s28 =	sadd.s32 $0x1, s28  }
0x3b: {  	p1 =	sne.s32 s28, s9  }
.Ltmp1:
0x3c: {  	_ = 	snop;
	(pc) =	sbr.rel @!p1 .LBB2_28-.Ltmp1, $1  }
0x3d: {  	_ =	sdelay $0x3  }
.LBB2_1:
0x3e: {  	s0 =	simm.s32 $0x0;
	s1 =	simm.s32 $0x200  }
.LBB2_2:
0x3f: {  	p1 =	sne.s32 s1, $0x3FE00;
	[tilespmem:s0+$0x6470] =	vst v0  }
0x40: {  	[tilespmem:s0+$0x6400] =	vst v0  }
0x41: {  	[tilespmem:s0+$0x6410] =	vst v0  }
.Ltmp2:
0x42: {  	[tilespmem:s0+$0x6420] =	vst v0;
	(pc) =	sbr.rel @p1 .LBB2_2-.Ltmp2, $4  }
0x43: {  	[tilespmem:s0+$0x6430] =	vst v0  }
0x44: {  	[tilespmem:s0+$0x6440] =	vst v0  }
0x45: {  	[tilespmem:s0+$0x6450] =	vst v0  }
0x46: {  	[tilespmem:s0+$0x6460] =	vst v0;
	s0 =	sshra.s32 s1, $0x2;
	s1 =	sadd.s32 $0x200, s1  }
0x47: {  	[tilespmem:s0+$0x6470] =	vst v0  }
0x48: {  	[tilespmem:s0+$0x6400] =	vst v0  }
0x49: {  	[tilespmem:s0+$0x6410] =	vst v0  }
0x4a: {  	[tilespmem:s0+$0x6420] =	vst v0  }
0x4b: {  	[tilespmem:s0+$0x6430] =	vst v0  }
0x4c: {  	[tilespmem:s0+$0x6440] =	vst v0  }
0x4d: {  	[tilespmem:s0+$0x6450] =	vst v0  }
0x4e: {  	s29 =	simm.s32 $0x0;
	[tilespmem:s0+$0x6460] =	vst v0;
	s30 =	simm.s32 $0x0  }
.LBB2_4:
0x4f: {  	s0 =	sshll.u32 s30, $0xA  }
0x50: {  	s0 =	sadd.s32 s4, s0  }
0x51: {  	s1 =	sshll.u32 s0, $0x2  }
0x52: {  	s1 =	sor.u32 s5, s1  }
0x53: {  	s1 =	sshrl.u32 s1, $0x3  }
0x54: {  	s31 =	simm.s32 $0x6000;
	s1 =	sadd.s32 s2, s1  }
0x55: {  	[tilespmem:s31], [sflag:$0x1] =	stream.strided.gather [hbm4b:s1+s17], $0x400, s18, s17, $0x38;
	[tilespmem:$0x1C480] =	vst v63  }
0x56: {  	_ =	swait.ge [sflag:s19], $0x400  }
0x57: {  	[sflag:s19] =	ssyncset.done $0x0  }
0x58: {  	s0 =	sadd.s32 s0, s6;
	[sflag:s19] =	ssyncadd.s32 $0xFFFFFC00  }
0x59: {  	[tilespmem:s29], [sflag:$0x1] =	stream.strided.gather [hbm4b:s0+s20], $0x6000, s21, s20, $0x38;
	[tilespmem:$0x1C480] =	vst v63  }
0x5a: {  	_ =	swait.ge [sflag:s19], $0x6000  }
0x5b: {  	[sflag:s19] =	ssyncset.done $0x0  }
0x5c: {  	s1 =	simm.s32 $0x0;
	s0 =	simm.s32 $0x0;
	[sflag:s19] =	ssyncadd.s32 $0xFFFFA000  }
.LBB2_5:
0x5d: {  	s3 =	sand.u32 $0x70, s0;
	s26 =	sand.u32 $0x1C00, s1  }
0x5e: {  	s26 =	sor.u32 s3, s26  }
0x5f: {  	v4 =	vld [tilespmem:s26+$0x0];
	_ =	sdelay $0x4  }
0x60: {  	v3 =	vld [tilespmem:s31+$0x0];
	v4 =	vmul.f32 $5.120000000e+02, v4;
	_ =	sdelay $0x1  }
0x61: {  	v4 =	vadd.f32 $5.120000000e+02, v4;
	_ =	sdelay $0x1  }
0x62: {  	v5 =	vsub.f32 $1.024000000e+03, v4  }
0x63: {  	vm8 =	veq.s32 v3, $0x0  }
0x64: {  	v4 =	vsel vm8, v5, v4  }
0x65: {  	v5 =	vmin.f32 v4, $4.095000000e+03  }
0x66: {  	v5 =	vtrunc.f32 v5  }
0x67: {  	v5 =	vcvt.f32.s32 v5;
	_ =	sdelay $0x1  }
0x68: {  	vm9 =	vgt.s32 v5, $0x0  }
0x69: {  	v5 =	vnsel vm9, $0x0, v5  }
0x6a: {  	vm9 =	vgt.f32 v4, $0.0e+00;
	v59 =	vshll.u32 v5, $0x4  }
0x6b: {  	v4 =	vor.u32 v2, v59;
	_ =	sdelay $0x3  }
0x6c: {  	v60 =	vsel vm8, $0x10000, v1  }
0x6d: {  	[tilespmem:v4+s22+$0x0] =	vst.idx.add.s32.msk vm9, v60  }
0x6e: {  	v4 =	vld [tilespmem:s26+$0x80];
	_ =	sdelay $0x4  }
0x6f: {  	v4 =	vmul.f32 $5.120000000e+02, v4;
	_ =	sdelay $0x1  }
0x70: {  	v4 =	vadd.f32 $5.120000000e+02, v4;
	_ =	sdelay $0x1  }
0x71: {  	v61 =	vsub.f32 $1.024000000e+03, v4  }
0x72: {  	vm8 =	veq.s32 v3, $0x1  }
0x73: {  	v4 =	vsel vm8, v61, v4  }
0x74: {  	v5 =	vmin.f32 v4, $4.095000000e+03  }
0x75: {  	v5 =	vtrunc.f32 v5  }
0x76: {  	v5 =	vcvt.f32.s32 v5;
	_ =	sdelay $0x1  }
0x77: {  	vm9 =	vgt.s32 v5, $0x0  }
0x78: {  	v5 =	vnsel vm9, $0x0, v5  }
0x79: {  	vm9 =	vgt.f32 v4, $0.0e+00;
	v62 =	vshll.u32 v5, $0x4  }
0x7a: {  	v4 =	vor.u32 v2, v62;
	_ =	sdelay $0x3  }
0x7b: {  	v63 =	vsel vm8, $0x10000, v1  }
0x7c: {  	[tilespmem:v4+s22+$0x0] =	vst.idx.add.s32.msk vm9, v63  }
0x7d: {  	v4 =	vld [tilespmem:s26+$0x100];
	_ =	sdelay $0x4  }
0x7e: {  	v4 =	vmul.f32 $5.120000000e+02, v4;
	_ =	sdelay $0x1  }
0x7f: {  	v4 =	vadd.f32 $5.120000000e+02, v4;
	_ =	sdelay $0x1  }
0x80: {  	v8 =	vsub.f32 $1.024000000e+03, v4  }
0x81: {  	vm8 =	veq.s32 v3, $0x2  }
0x82: {  	v4 =	vsel vm8, v8, v4  }
0x83: {  	v5 =	vmin.f32 v4, $4.095000000e+03  }
0x84: {  	v5 =	vtrunc.f32 v5  }
0x85: {  	v5 =	vcvt.f32.s32 v5;
	_ =	sdelay $0x1  }
0x86: {  	vm9 =	vgt.s32 v5, $0x0  }
0x87: {  	v5 =	vnsel vm9, $0x0, v5  }
0x88: {  	vm9 =	vgt.f32 v4, $0.0e+00;
	v9 =	vshll.u32 v5, $0x4  }
0x89: {  	v4 =	vor.u32 v2, v9;
	_ =	sdelay $0x3  }
0x8a: {  	v10 =	vsel vm8, $0x10000, v1  }
0x8b: {  	[tilespmem:v4+s22+$0x0] =	vst.idx.add.s32.msk vm9, v10  }
0x8c: {  	v4 =	vld [tilespmem:s26+$0x180];
	_ =	sdelay $0x4  }
0x8d: {  	v4 =	vmul.f32 $5.120000000e+02, v4;
	_ =	sdelay $0x1  }
0x8e: {  	v4 =	vadd.f32 $5.120000000e+02, v4;
	_ =	sdelay $0x1  }
0x8f: {  	v11 =	vsub.f32 $1.024000000e+03, v4  }
0x90: {  	vm8 =	veq.s32 v3, $0x3  }
0x91: {  	v4 =	vsel vm8, v11, v4  }
0x92: {  	v5 =	vmin.f32 v4, $4.095000000e+03  }
0x93: {  	v5 =	vtrunc.f32 v5  }
0x94: {  	v5 =	vcvt.f32.s32 v5;
	_ =	sdelay $0x1  }
0x95: {  	vm9 =	vgt.s32 v5, $0x0  }
0x96: {  	v5 =	vnsel vm9, $0x0, v5  }
0x97: {  	vm9 =	vgt.f32 v4, $0.0e+00;
	v12 =	vshll.u32 v5, $0x4  }
0x98: {  	v4 =	vor.u32 v2, v12;
	_ =	sdelay $0x3  }
0x99: {  	v13 =	vsel vm8, $0x10000, v1  }
0x9a: {  	[tilespmem:v4+s22+$0x0] =	vst.idx.add.s32.msk vm9, v13  }
0x9b: {  	v4 =	vld [tilespmem:s26+$0x200];
	_ =	sdelay $0x4  }
0x9c: {  	v4 =	vmul.f32 $5.120000000e+02, v4;
	_ =	sdelay $0x1  }
0x9d: {  	v4 =	vadd.f32 $5.120000000e+02, v4;
	_ =	sdelay $0x1  }
0x9e: {  	v14 =	vsub.f32 $1.024000000e+03, v4  }
0x9f: {  	vm8 =	veq.s32 v3, $0x4  }
0xa0: {  	v4 =	vsel vm8, v14, v4  }
0xa1: {  	v5 =	vmin.f32 v4, $4.095000000e+03  }
0xa2: {  	v5 =	vtrunc.f32 v5  }
0xa3: {  	v5 =	vcvt.f32.s32 v5;
	_ =	sdelay $0x1  }
0xa4: {  	vm9 =	vgt.s32 v5, $0x0  }
0xa5: {  	v5 =	vnsel vm9, $0x0, v5  }
0xa6: {  	vm9 =	vgt.f32 v4, $0.0e+00;
	v15 =	vshll.u32 v5, $0x4  }
0xa7: {  	v4 =	vor.u32 v2, v15;
	_ =	sdelay $0x3  }
0xa8: {  	v16 =	vsel vm8, $0x10000, v1  }
0xa9: {  	[tilespmem:v4+s22+$0x0] =	vst.idx.add.s32.msk vm9, v16  }
0xaa: {  	v4 =	vld [tilespmem:s26+$0x280];
	_ =	sdelay $0x4  }
0xab: {  	v4 =	vmul.f32 $5.120000000e+02, v4;
	_ =	sdelay $0x1  }
0xac: {  	v4 =	vadd.f32 $5.120000000e+02, v4;
	_ =	sdelay $0x1  }
0xad: {  	v17 =	vsub.f32 $1.024000000e+03, v4  }
0xae: {  	vm8 =	veq.s32 v3, $0x5  }
0xaf: {  	v4 =	vsel vm8, v17, v4  }
0xb0: {  	v5 =	vmin.f32 v4, $4.095000000e+03  }
0xb1: {  	v5 =	vtrunc.f32 v5  }
0xb2: {  	v5 =	vcvt.f32.s32 v5;
	_ =	sdelay $0x1  }
0xb3: {  	vm9 =	vgt.s32 v5, $0x0  }
0xb4: {  	v5 =	vnsel vm9, $0x0, v5  }
0xb5: {  	vm9 =	vgt.f32 v4, $0.0e+00;
	v18 =	vshll.u32 v5, $0x4  }
0xb6: {  	v4 =	vor.u32 v2, v18;
	_ =	sdelay $0x3  }
0xb7: {  	v19 =	vsel vm8, $0x10000, v1  }
0xb8: {  	[tilespmem:v4+s22+$0x0] =	vst.idx.add.s32.msk vm9, v19  }
0xb9: {  	v4 =	vld [tilespmem:s26+$0x300];
	_ =	sdelay $0x4  }
0xba: {  	v4 =	vmul.f32 $5.120000000e+02, v4;
	_ =	sdelay $0x1  }
0xbb: {  	v4 =	vadd.f32 $5.120000000e+02, v4;
	_ =	sdelay $0x1  }
0xbc: {  	v20 =	vsub.f32 $1.024000000e+03, v4  }
0xbd: {  	vm8 =	veq.s32 v3, $0x6  }
0xbe: {  	v4 =	vsel vm8, v20, v4  }
0xbf: {  	v5 =	vmin.f32 v4, $4.095000000e+03  }
0xc0: {  	v5 =	vtrunc.f32 v5  }
0xc1: {  	v5 =	vcvt.f32.s32 v5;
	_ =	sdelay $0x1  }
0xc2: {  	vm9 =	vgt.s32 v5, $0x0  }
0xc3: {  	v5 =	vnsel vm9, $0x0, v5  }
0xc4: {  	vm9 =	vgt.f32 v4, $0.0e+00;
	v21 =	vshll.u32 v5, $0x4  }
0xc5: {  	v4 =	vor.u32 v2, v21;
	_ =	sdelay $0x3  }
0xc6: {  	s8 =	sor.u32 s1, s0;
	v22 =	vsel vm8, $0x10000, v1  }
0xc7: {  	s3 =	sor.u32 $0x380, s8;
	[tilespmem:v4+s22+$0x0] =	vst.idx.add.s32.msk vm9, v22  }
0xc8: {  	v4 =	vld [tilespmem:s3+$0x0];
	_ =	sdelay $0x4  }
0xc9: {  	v4 =	vmul.f32 $5.120000000e+02, v4;
	_ =	sdelay $0x1  }
0xca: {  	v4 =	vadd.f32 $5.120000000e+02, v4;
	_ =	sdelay $0x1  }
0xcb: {  	v23 =	vsub.f32 $1.024000000e+03, v4  }
0xcc: {  	vm8 =	veq.s32 v3, $0x7  }
0xcd: {  	v4 =	vsel vm8, v23, v4  }
0xce: {  	v5 =	vmin.f32 v4, $4.095000000e+03  }
0xcf: {  	v5 =	vtrunc.f32 v5  }
0xd0: {  	v5 =	vcvt.f32.s32 v5;
	_ =	sdelay $0x1  }
0xd1: {  	vm9 =	vgt.s32 v5, $0x0  }
0xd2: {  	v5 =	vnsel vm9, $0x0, v5  }
0xd3: {  	vm9 =	vgt.f32 v4, $0.0e+00;
	v24 =	vshll.u32 v5, $0x4  }
0xd4: {  	v4 =	vor.u32 v2, v24;
	_ =	sdelay $0x3  }
0xd5: {  	v25 =	vsel vm8, $0x10000, v1  }
0xd6: {  	[tilespmem:v4+s22+$0x0] =	vst.idx.add.s32.msk vm9, v25  }
0xd7: {  	v4 =	vld [tilespmem:s26+$0x2000];
	_ =	sdelay $0x4  }
0xd8: {  	v4 =	vmul.f32 $5.120000000e+02, v4;
	_ =	sdelay $0x1  }
0xd9: {  	v4 =	vadd.f32 $5.120000000e+02, v4;
	_ =	sdelay $0x1  }
0xda: {  	v26 =	vsub.f32 $1.024000000e+03, v4  }
0xdb: {  	vm8 =	veq.s32 v3, $0x8  }
0xdc: {  	v4 =	vsel vm8, v26, v4  }
0xdd: {  	v5 =	vmin.f32 v4, $4.095000000e+03  }
0xde: {  	v5 =	vtrunc.f32 v5  }
0xdf: {  	v5 =	vcvt.f32.s32 v5;
	_ =	sdelay $0x1  }
0xe0: {  	vm9 =	vgt.s32 v5, $0x0  }
0xe1: {  	v5 =	vnsel vm9, $0x0, v5  }
0xe2: {  	vm9 =	vgt.f32 v4, $0.0e+00;
	v27 =	vshll.u32 v5, $0x4  }
0xe3: {  	v4 =	vor.u32 v2, v27;
	_ =	sdelay $0x3  }
0xe4: {  	v28 =	vsel vm8, $0x10000, v1  }
0xe5: {  	[tilespmem:v4+s22+$0x0] =	vst.idx.add.s32.msk vm9, v28  }
0xe6: {  	v4 =	vld [tilespmem:s26+$0x2080];
	_ =	sdelay $0x4  }
0xe7: {  	v4 =	vmul.f32 $5.120000000e+02, v4;
	_ =	sdelay $0x1  }
0xe8: {  	v4 =	vadd.f32 $5.120000000e+02, v4;
	_ =	sdelay $0x1  }
0xe9: {  	v29 =	vsub.f32 $1.024000000e+03, v4  }
0xea: {  	vm8 =	veq.s32 v3, $0x9  }
0xeb: {  	v4 =	vsel vm8, v29, v4  }
0xec: {  	v5 =	vmin.f32 v4, $4.095000000e+03  }
0xed: {  	v5 =	vtrunc.f32 v5  }
0xee: {  	v5 =	vcvt.f32.s32 v5;
	_ =	sdelay $0x1  }
0xef: {  	vm9 =	vgt.s32 v5, $0x0  }
0xf0: {  	v5 =	vnsel vm9, $0x0, v5  }
0xf1: {  	vm9 =	vgt.f32 v4, $0.0e+00;
	v30 =	vshll.u32 v5, $0x4  }
0xf2: {  	v4 =	vor.u32 v2, v30;
	_ =	sdelay $0x3  }
0xf3: {  	v31 =	vsel vm8, $0x10000, v1  }
0xf4: {  	[tilespmem:v4+s22+$0x0] =	vst.idx.add.s32.msk vm9, v31  }
0xf5: {  	v4 =	vld [tilespmem:s26+$0x2100];
	_ =	sdelay $0x4  }
0xf6: {  	v4 =	vmul.f32 $5.120000000e+02, v4;
	_ =	sdelay $0x1  }
0xf7: {  	v4 =	vadd.f32 $5.120000000e+02, v4;
	_ =	sdelay $0x1  }
0xf8: {  	v32 =	vsub.f32 $1.024000000e+03, v4  }
0xf9: {  	vm8 =	veq.s32 v3, $0xA  }
0xfa: {  	v4 =	vsel vm8, v32, v4  }
0xfb: {  	v5 =	vmin.f32 v4, $4.095000000e+03  }
0xfc: {  	v5 =	vtrunc.f32 v5  }
0xfd: {  	v5 =	vcvt.f32.s32 v5;
	_ =	sdelay $0x1  }
0xfe: {  	vm9 =	vgt.s32 v5, $0x0  }
0xff: {  	v5 =	vnsel vm9, $0x0, v5  }
0x100: {  	vm9 =	vgt.f32 v4, $0.0e+00;
	v33 =	vshll.u32 v5, $0x4  }
0x101: {  	v4 =	vor.u32 v2, v33;
	_ =	sdelay $0x3  }
0x102: {  	v34 =	vsel vm8, $0x10000, v1  }
0x103: {  	[tilespmem:v4+s22+$0x0] =	vst.idx.add.s32.msk vm9, v34  }
0x104: {  	v4 =	vld [tilespmem:s26+$0x2180];
	_ =	sdelay $0x4  }
0x105: {  	v4 =	vmul.f32 $5.120000000e+02, v4;
	_ =	sdelay $0x1  }
0x106: {  	v4 =	vadd.f32 $5.120000000e+02, v4;
	_ =	sdelay $0x1  }
0x107: {  	v35 =	vsub.f32 $1.024000000e+03, v4  }
0x108: {  	vm8 =	veq.s32 v3, $0xB  }
0x109: {  	v4 =	vsel vm8, v35, v4  }
0x10a: {  	v5 =	vmin.f32 v4, $4.095000000e+03  }
0x10b: {  	v5 =	vtrunc.f32 v5  }
0x10c: {  	v5 =	vcvt.f32.s32 v5;
	_ =	sdelay $0x1  }
0x10d: {  	vm9 =	vgt.s32 v5, $0x0  }
0x10e: {  	v5 =	vnsel vm9, $0x0, v5  }
0x10f: {  	vm9 =	vgt.f32 v4, $0.0e+00;
	v36 =	vshll.u32 v5, $0x4  }
0x110: {  	v4 =	vor.u32 v2, v36;
	_ =	sdelay $0x3  }
0x111: {  	v37 =	vsel vm8, $0x10000, v1  }
0x112: {  	[tilespmem:v4+s22+$0x0] =	vst.idx.add.s32.msk vm9, v37  }
0x113: {  	v4 =	vld [tilespmem:s26+$0x2200];
	_ =	sdelay $0x4  }
0x114: {  	v4 =	vmul.f32 $5.120000000e+02, v4;
	_ =	sdelay $0x1  }
0x115: {  	v4 =	vadd.f32 $5.120000000e+02, v4;
	_ =	sdelay $0x1  }
0x116: {  	v38 =	vsub.f32 $1.024000000e+03, v4  }
0x117: {  	vm8 =	veq.s32 v3, $0xC  }
0x118: {  	v4 =	vsel vm8, v38, v4  }
0x119: {  	v5 =	vmin.f32 v4, $4.095000000e+03  }
0x11a: {  	v5 =	vtrunc.f32 v5  }
0x11b: {  	v5 =	vcvt.f32.s32 v5;
	_ =	sdelay $0x1  }
0x11c: {  	vm9 =	vgt.s32 v5, $0x0  }
0x11d: {  	v5 =	vnsel vm9, $0x0, v5  }
0x11e: {  	vm9 =	vgt.f32 v4, $0.0e+00;
	v39 =	vshll.u32 v5, $0x4  }
0x11f: {  	v4 =	vor.u32 v2, v39;
	_ =	sdelay $0x3  }
0x120: {  	v40 =	vsel vm8, $0x10000, v1  }
0x121: {  	[tilespmem:v4+s22+$0x0] =	vst.idx.add.s32.msk vm9, v40  }
0x122: {  	v4 =	vld [tilespmem:s26+$0x2280];
	_ =	sdelay $0x4  }
0x123: {  	v4 =	vmul.f32 $5.120000000e+02, v4;
	_ =	sdelay $0x1  }
0x124: {  	v4 =	vadd.f32 $5.120000000e+02, v4;
	_ =	sdelay $0x1  }
0x125: {  	v41 =	vsub.f32 $1.024000000e+03, v4  }
0x126: {  	vm8 =	veq.s32 v3, $0xD  }
0x127: {  	v4 =	vsel vm8, v41, v4  }
0x128: {  	v5 =	vmin.f32 v4, $4.095000000e+03  }
0x129: {  	v5 =	vtrunc.f32 v5  }
0x12a: {  	v5 =	vcvt.f32.s32 v5;
	_ =	sdelay $0x1  }
0x12b: {  	vm9 =	vgt.s32 v5, $0x0  }
0x12c: {  	v5 =	vnsel vm9, $0x0, v5  }
0x12d: {  	vm9 =	vgt.f32 v4, $0.0e+00;
	v42 =	vshll.u32 v5, $0x4  }
0x12e: {  	v4 =	vor.u32 v2, v42;
	_ =	sdelay $0x3  }
0x12f: {  	v43 =	vsel vm8, $0x10000, v1  }
0x130: {  	[tilespmem:v4+s22+$0x0] =	vst.idx.add.s32.msk vm9, v43  }
0x131: {  	v4 =	vld [tilespmem:s26+$0x2300];
	_ =	sdelay $0x4  }
0x132: {  	v4 =	vmul.f32 $5.120000000e+02, v4;
	_ =	sdelay $0x1  }
0x133: {  	v4 =	vadd.f32 $5.120000000e+02, v4;
	_ =	sdelay $0x1  }
0x134: {  	v44 =	vsub.f32 $1.024000000e+03, v4  }
0x135: {  	vm8 =	veq.s32 v3, $0xE  }
0x136: {  	v4 =	vsel vm8, v44, v4  }
0x137: {  	v5 =	vmin.f32 v4, $4.095000000e+03  }
0x138: {  	v5 =	vtrunc.f32 v5  }
0x139: {  	v5 =	vcvt.f32.s32 v5;
	_ =	sdelay $0x1  }
0x13a: {  	vm9 =	vgt.s32 v5, $0x0  }
0x13b: {  	v5 =	vnsel vm9, $0x0, v5  }
0x13c: {  	vm9 =	vgt.f32 v4, $0.0e+00;
	v45 =	vshll.u32 v5, $0x4  }
0x13d: {  	v4 =	vor.u32 v2, v45;
	_ =	sdelay $0x3  }
0x13e: {  	v46 =	vsel vm8, $0x10000, v1  }
0x13f: {  	[tilespmem:v4+s22+$0x0] =	vst.idx.add.s32.msk vm9, v46  }
0x140: {  	v4 =	vld [tilespmem:s26+$0x2380];
	_ =	sdelay $0x4  }
0x141: {  	v4 =	vmul.f32 $5.120000000e+02, v4;
	_ =	sdelay $0x1  }
0x142: {  	v4 =	vadd.f32 $5.120000000e+02, v4;
	_ =	sdelay $0x1  }
0x143: {  	v47 =	vsub.f32 $1.024000000e+03, v4  }
0x144: {  	vm8 =	veq.s32 v3, $0xF  }
0x145: {  	v4 =	vsel vm8, v47, v4  }
0x146: {  	v5 =	vmin.f32 v4, $4.095000000e+03  }
0x147: {  	v5 =	vtrunc.f32 v5  }
0x148: {  	v5 =	vcvt.f32.s32 v5;
	_ =	sdelay $0x1  }
0x149: {  	vm9 =	vgt.s32 v5, $0x0  }
0x14a: {  	v5 =	vnsel vm9, $0x0, v5  }
0x14b: {  	vm9 =	vgt.f32 v4, $0.0e+00;
	v48 =	vshll.u32 v5, $0x4  }
0x14c: {  	v4 =	vor.u32 v2, v48;
	_ =	sdelay $0x3  }
0x14d: {  	v49 =	vsel vm8, $0x10000, v1  }
0x14e: {  	[tilespmem:v4+s22+$0x0] =	vst.idx.add.s32.msk vm9, v49  }
0x14f: {  	v4 =	vld [tilespmem:s26+$0x4000];
	_ =	sdelay $0x4  }
0x150: {  	v4 =	vmul.f32 $5.120000000e+02, v4;
	_ =	sdelay $0x1  }
0x151: {  	v4 =	vadd.f32 $5.120000000e+02, v4;
	_ =	sdelay $0x1  }
0x152: {  	v50 =	vsub.f32 $1.024000000e+03, v4  }
0x153: {  	vm8 =	veq.s32 v3, $0x10  }
0x154: {  	v4 =	vsel vm8, v50, v4  }
0x155: {  	v5 =	vmin.f32 v4, $4.095000000e+03  }
0x156: {  	v5 =	vtrunc.f32 v5  }
0x157: {  	v5 =	vcvt.f32.s32 v5;
	_ =	sdelay $0x1  }
0x158: {  	vm9 =	vgt.s32 v5, $0x0  }
0x159: {  	v5 =	vnsel vm9, $0x0, v5  }
0x15a: {  	vm9 =	vgt.f32 v4, $0.0e+00;
	v51 =	vshll.u32 v5, $0x4  }
0x15b: {  	v4 =	vor.u32 v2, v51;
	_ =	sdelay $0x3  }
0x15c: {  	v52 =	vsel vm8, $0x10000, v1  }
0x15d: {  	[tilespmem:v4+s22+$0x0] =	vst.idx.add.s32.msk vm9, v52  }
0x15e: {  	v4 =	vld [tilespmem:s26+$0x4080];
	_ =	sdelay $0x4  }
0x15f: {  	v4 =	vmul.f32 $5.120000000e+02, v4;
	_ =	sdelay $0x1  }
0x160: {  	v4 =	vadd.f32 $5.120000000e+02, v4;
	_ =	sdelay $0x1  }
0x161: {  	v53 =	vsub.f32 $1.024000000e+03, v4  }
0x162: {  	vm8 =	veq.s32 v3, $0x11  }
0x163: {  	v4 =	vsel vm8, v53, v4  }
0x164: {  	v5 =	vmin.f32 v4, $4.095000000e+03  }
0x165: {  	v5 =	vtrunc.f32 v5  }
0x166: {  	v5 =	vcvt.f32.s32 v5;
	_ =	sdelay $0x1  }
0x167: {  	vm9 =	vgt.s32 v5, $0x0  }
0x168: {  	v5 =	vnsel vm9, $0x0, v5  }
0x169: {  	vm9 =	vgt.f32 v4, $0.0e+00;
	v54 =	vshll.u32 v5, $0x4  }
0x16a: {  	v4 =	vor.u32 v2, v54;
	_ =	sdelay $0x3  }
0x16b: {  	v55 =	vsel vm8, $0x10000, v1  }
0x16c: {  	[tilespmem:v4+s22+$0x0] =	vst.idx.add.s32.msk vm9, v55  }
0x16d: {  	v4 =	vld [tilespmem:s26+$0x4100];
	_ =	sdelay $0x4  }
0x16e: {  	v4 =	vmul.f32 $5.120000000e+02, v4;
	_ =	sdelay $0x1  }
0x16f: {  	v4 =	vadd.f32 $5.120000000e+02, v4;
	_ =	sdelay $0x1  }
0x170: {  	v56 =	vsub.f32 $1.024000000e+03, v4  }
0x171: {  	vm8 =	veq.s32 v3, $0x12  }
0x172: {  	v4 =	vsel vm8, v56, v4  }
0x173: {  	v5 =	vmin.f32 v4, $4.095000000e+03  }
0x174: {  	v5 =	vtrunc.f32 v5  }
0x175: {  	v5 =	vcvt.f32.s32 v5;
	_ =	sdelay $0x1  }
0x176: {  	vm9 =	vgt.s32 v5, $0x0  }
0x177: {  	v5 =	vnsel vm9, $0x0, v5  }
0x178: {  	vm9 =	vgt.f32 v4, $0.0e+00;
	v57 =	vshll.u32 v5, $0x4  }
0x179: {  	v4 =	vor.u32 v2, v57;
	_ =	sdelay $0x3  }
0x17a: {  	v58 =	vsel vm8, $0x10000, v1  }
0x17b: {  	[tilespmem:v4+s22+$0x0] =	vst.idx.add.s32.msk vm9, v58  }
0x17c: {  	v4 =	vld [tilespmem:s26+$0x4180];
	_ =	sdelay $0x4  }
0x17d: {  	v4 =	vmul.f32 $5.120000000e+02, v4;
	_ =	sdelay $0x1  }
0x17e: {  	v4 =	vadd.f32 $5.120000000e+02, v4;
	_ =	sdelay $0x1  }
0x17f: {  	v59 =	vsub.f32 $1.024000000e+03, v4  }
0x180: {  	vm8 =	veq.s32 v3, $0x13  }
0x181: {  	v4 =	vsel vm8, v59, v4  }
0x182: {  	v5 =	vmin.f32 v4, $4.095000000e+03  }
0x183: {  	v5 =	vtrunc.f32 v5  }
0x184: {  	v5 =	vcvt.f32.s32 v5;
	_ =	sdelay $0x1  }
0x185: {  	vm9 =	vgt.s32 v5, $0x0  }
0x186: {  	v5 =	vnsel vm9, $0x0, v5  }
0x187: {  	vm9 =	vgt.f32 v4, $0.0e+00;
	v60 =	vshll.u32 v5, $0x4  }
0x188: {  	v4 =	vor.u32 v2, v60;
	_ =	sdelay $0x3  }
0x189: {  	v61 =	vsel vm8, $0x10000, v1  }
0x18a: {  	[tilespmem:v4+s22+$0x0] =	vst.idx.add.s32.msk vm9, v61  }
0x18b: {  	v4 =	vld [tilespmem:s26+$0x4200];
	_ =	sdelay $0x4  }
0x18c: {  	v4 =	vmul.f32 $5.120000000e+02, v4;
	_ =	sdelay $0x1  }
0x18d: {  	v4 =	vadd.f32 $5.120000000e+02, v4;
	_ =	sdelay $0x1  }
0x18e: {  	v62 =	vsub.f32 $1.024000000e+03, v4  }
0x18f: {  	vm8 =	veq.s32 v3, $0x14  }
0x190: {  	v3 =	vsel vm8, v62, v4  }
0x191: {  	v4 =	vmin.f32 v3, $4.095000000e+03  }
0x192: {  	v4 =	vtrunc.f32 v4  }
0x193: {  	v4 =	vcvt.f32.s32 v4;
	_ =	sdelay $0x1  }
0x194: {  	vm9 =	vgt.s32 v4, $0x0  }
0x195: {  	v4 =	vnsel vm9, $0x0, v4  }
0x196: {  	vm9 =	vgt.f32 v3, $0.0e+00;
	v3 =	vshll.u32 v4, $0x4  }
0x197: {  	p1 =	sne.s32 s0, $0x3F0;
	v3 =	vor.u32 v2, v3  }
.Ltmp3:
0x198: {  	_ = 	snop;
	(pc) =	sbr.rel @p1 .LBB2_5-.Ltmp3, $3  }
0x199: {  	_ =	sdelay $0x1  }
0x19a: {  	v63 =	vsel vm8, $0x10000, v1  }
0x19b: {  	s1 =	sadd.s32 $0x80, s1;
	s31 =	sadd.s32 $0x10, s31;
	s0 =	sadd.s32 $0x10, s0;
	[tilespmem:v3+s22+$0x0] =	vst.idx.add.s32.msk vm9, v63  }
0x19c: {  	s30 =	sadd.s32 $0x1, s30  }
0x19d: {  	p1 =	sne.s32 s30, $0x20  }
.Ltmp4:
0x19e: {  	_ = 	snop;
	(pc) =	sbr.rel @p1 .LBB2_4-.Ltmp4, $1  }
0x19f: {  	_ =	sdelay $0x3  }
0x1a0: {  	s0 =	simm.s32 $0x6480  }
0x1a1: {  	v3 =	vld [tilespmem:s0+$0xFFFFFFB0]  }
0x1a2: {  	v4 =	vld [tilespmem:s0+$0xFFFFFFA0]  }
0x1a3: {  	v5 =	vld [tilespmem:s0+$0xFFFFFF80]  }
0x1a4: {  	v6 =	vld [tilespmem:s0+$0xFFFFFF90];
	_ =	sdelay $0x1  }
0x1a5: {  	v9 =	vld [tilespmem:s0+$0xFFFFFFD0];
	v7 =	vshrl.u32 v3, $0x10  }
0x1a6: {  	v8 =	vshrl.u32 v4, $0x10;
	(xrf0) =	vadd.scan.msk.s32 $0xffff, v7  }
0x1a7: {  	v7 =	vshrl.u32 v5, $0x10;
	(xrf0) =	vadd.scan.msk.s32 $0xffff, v8  }
0x1a8: {  	v8 =	vand.u32 $0xFFFF, v6;
	(xrf0) =	vadd.scan.msk.s32 $0xffff, v7  }
0x1a9: {  	v6 =	vshrl.u32 v6, $0x10;
	v7 =	vld [tilespmem:s0+$0xFFFFFFC0];
	(xrf0) =	vadd.scan.msk.s32 $0xffff, v8  }
0x1aa: {  	v5 =	vand.u32 $0xFFFF, v5;
	v8 =	vld [tilespmem:s0+$0xFFFFFFE0];
	(xrf0) =	vadd.scan.msk.s32 $0xffff, v6;
	v6 =	vand.u32 $0xFFFF, v9  }
0x1ab: {  	(xrf0) =	vadd.scan.msk.s32 $0xffff, v5;
	v5 =	vld [tilespmem:s0+$0xFFFFFFF0]  }
0x1ac: {  	v3 =	vand.u32 $0xFFFF, v3;
	v10, _, _ =	vpop (xrf0);
	(xrf0) =	vadd.scan.msk.s32 $0xffff, v6  }
0x1ad: {  	v4 =	vand.u32 $0xFFFF, v4;
	v6, _, _ =	vpop (xrf0);
	(xrf0) =	vadd.scan.msk.s32 $0xffff, v3  }
0x1ae: {  	v11 =	vld [tilespmem:s0+$0x0];
	v3 =	vand.u32 $0xFFFF, v7;
	v12, _, _ =	vpop (xrf0);
	(xrf0) =	vadd.scan.msk.s32 $0xffff, v4  }
0x1af: {  	v4 =	vld [tilespmem:s0+$0x10];
	v13 =	vand.u32 $0xFFFF, v8;
	v14, _, _ =	vpop (xrf0);
	(xrf0) =	vadd.scan.msk.s32 $0xffff, v3;
	v3 =	vshrl.u32 v7, $0x10  }
0x1b0: {  	v7 =	vshrl.u32 v8, $0x10;
	v8, _, _ =	vpop (xrf0);
	(xrf0) =	vadd.scan.msk.s32 $0xffff, v13;
	v13 =	vbroadcast v10, $0xF;
	v10 =	vand.u32 $0xFFFF, v5  }
0x1b1: {  	v17 =	vshrl.u32 v5, $0x10;
	v5 =	vbroadcast v14, $0xF;
	v16, _, _ =	vpop (xrf0);
	(xrf0) =	vadd.scan.msk.s32 $0xffff, v7;
	v7 =	vbroadcast v12, $0xF  }
0x1b2: {  	v15 =	vld [tilespmem:s0+$0x20];
	v8 =	vbroadcast v8, $0xF;
	v14 =	vbroadcast v16, $0xF  }
0x1b3: {  	v9 =	vshrl.u32 v9, $0x10;
	v6 =	vbroadcast v6, $0xF;
	v21, _, _ =	vpop (xrf0);
	(xrf0) =	vadd.scan.msk.s32 $0xffff, v10;
	v10 =	vand.u32 $0xFFFF, v11  }
0x1b4: {  	v23 =	vld [tilespmem:s0+$0x50];
	v16, _, _ =	vpop (xrf0);
	(xrf0) =	vadd.scan.msk.s32 $0xffff, v9;
	v9 =	vshrl.u32 v11, $0x10;
	v11 =	vshrl.u32 v4, $0x10;
	v7 =	vsel vm0, v7, v8  }
0x1b5: {  	v12 =	vld [tilespmem:s0+$0x30];
	v18, _, _ =	vpop (xrf0);
	(xrf0) =	vadd.scan.msk.s32 $0xffff, v10;
	v8 =	vsel vm0, v14, v5;
	v5 =	vsel vm1, v7, v6  }
0x1b6: {  	v22 =	vld [tilespmem:s0+$0x40];
	(xrf0) =	vadd.scan.msk.s32 $0xffff, v11;
	v14, _, _ =	vpop (xrf0)  }
0x1b7: {  	v24 =	vand.u32 $0xFFFF, v15;
	v4 =	vand.u32 $0xFFFF, v4;
	v10 =	vld [tilespmem:s0+$0x60];
	v7 =	vbroadcast v18, $0xF;
	(xrf0) =	vadd.scan.msk.s32 $0xffff, v3;
	v11, _, _ =	vpop (xrf0)  }
0x1b8: {  	v21 =	vbroadcast v21, $0xF;
	v6 =	vshrl.u32 v15, $0x10;
	v3 =	vsel vm2, v5, v13;
	v5, _, _ =	vpop (xrf0);
	(xrf0) =	vadd.scan.msk.s32 $0xffff, v9  }
0x1b9: {  	v19 =	vbroadcast v16, $0xF;
	v16 =	vshrl.u32 v23, $0x10;
	v18 =	vsel vm1, v8, v7;
	v8, _, _ =	vpop (xrf0);
	(xrf0) =	vadd.scan.msk.s32 $0xffff, v4  }
0x1ba: {  	v13 =	vand.u32 $0xFFFF, v12;
	v15 =	vshrl.u32 v12, $0x10;
	v12 =	vbroadcast v14, $0xF;
	v20, _, _ =	vpop (xrf0);
	(xrf0) =	vadd.scan.msk.s32 $0xffff, v6  }
0x1bb: {  	s1 =	simm.s32 $0x0;
	s30 =	simm.s32 $0x16400;
	v14 =	vshrl.u32 v22, $0x10;
	v7 =	vbroadcast v11, $0xF;
	v9 =	vand.u32 $0xFFFF, v22;
	v11, _, _ =	vpop (xrf0);
	(xrf0) =	vadd.scan.msk.s32 $0xffff, v24  }
0x1bc: {  	s31 =	simm.s32 $0x10;
	s29 =	simm.s32 $0x6480;
	s26 =	simm.s32 $0x16400;
	v4 =	vshrl.u32 v10, $0x10;
	v6 =	vbroadcast v8, $0xF;
	v8 =	vand.u32 $0xFFFF, v23;
	(xrf0) =	vadd.scan.msk.s32 $0xffff, v17;
	v17, _, _ =	vpop (xrf0)  }
.LBB2_8:
0x1bd: {  	p1 =	sne.s32 s31, $0xFF0;
	v22 =	vsel vm2, v18, v19;
	vm8 =	vmmov $0xfff;
	v10 =	vand.u32 $0xFFFF, v10;
	s30 =	sadd.s32 $0x10, s30;
	s0 =	sadd.s32 $0x100, s0;
	v19, _, _ =	vpop (xrf0);
	(xrf0) =	vadd.scan.msk.s32 $0xffff, v13  }
0x1be: {  	vm9 =	vmmov $0x7ff;
	s3 =	smov.u32 s31;
	s31 =	sadd.s32 $0x10, s31;
	v23 =	vbroadcast v19, $0xF;
	v19 =	vbroadcast v20, $0xF;
	v20, _, _ =	vpop (xrf0);
	(xrf0) =	vadd.scan.msk.s32 $0xffff, v15  }
0x1bf: {  	v17 =	vbroadcast v17, $0xF;
	v12 =	vsel vm3, v22, v12;
	v15 =	vbroadcast v20, $0xF;
	v18, _, _ =	vpop (xrf0);
	(xrf0) =	vadd.scan.msk.s32 $0xffff, v14  }
0x1c0: {  	v5 =	vbroadcast v5, $0xF;
	v12 =	vsel vm4, v12, v21;
	v14, _, _ =	vpop (xrf0);
	(xrf0) =	vadd.scan.msk.s32 $0xffff, v16  }
0x1c1: {  	v3 =	vsel vm3, v3, v23;
	v7 =	vsel vm5, v12, v7;
	v16 =	vbroadcast v11, $0xF;
	v12 =	vld [tilespmem:s29+$0x70];
	v13, _, _ =	vpop (xrf0);
	(xrf0) =	vadd.scan.msk.s32 $0xffff, v8;
	s29 =	smov.u32 s0  }
0x1c2: {  	v3 =	vsel vm4, v3, v19;
	v19 =	vsel vm6, v7, v6;
	v7 =	vbroadcast v18, $0xF;
	v8, _, _ =	vpop (xrf0);
	(xrf0) =	vadd.scan.msk.s32 $0xffff, v9  }
0x1c3: {  	v16 =	vsel vm7, v19, v16;
	v13 =	vbroadcast v13, $0xF;
	v8 =	vbroadcast v8, $0xF;
	v11, _, _ =	vpop (xrf0);
	(xrf0) =	vadd.scan.msk.s32 $0xffff, v10  }
0x1c4: {  	v3 =	vsel vm5, v3, v5;
	v5 =	vsel vm10, v16, v7;
	v6, _, _ =	vpop (xrf0);
	(xrf0) =	vadd.scan.msk.s32 $0xffff, v4  }
0x1c5: {  	v4 =	vsel vm11, v5, v13;
	v3 =	vsel vm6, v3, v8;
	v5 =	vbroadcast v6, $0xF;
	v6, _, _ =	vpop (xrf0)  }
0x1c6: {  	v7 =	vbroadcast v14, $0xF;
	v3 =	vsel vm7, v3, v15;
	v13 =	vand.u32 $0xFFFF, v12;
	v9, _, _ =	vpop (xrf0)  }
0x1c7: {  	v10 =	vbroadcast v11, $0xF;
	v11 =	vshrl.u32 v12, $0x10;
	v3 =	vsel vm10, v3, v17;
	v12, _, _ =	vpop (xrf0);
	(xrf0) =	vadd.scan.msk.s32 $0xffff, v13  }
0x1c8: {  	v6 =	vbroadcast v6, $0xF;
	v3 =	vsel vm11, v3, v7;
	v7 =	vbroadcast v9, $0xF;
	v8, _, _ =	vpop (xrf0);
	(xrf0) =	vadd.scan.msk.s32 $0xffff, v11  }
0x1c9: {  	v4 =	vsel vm9, v4, v10;
	v3 =	vsel vm9, v3, v5;
	v5 =	vbroadcast v8, $0xF;
	v8, _, _ =	vpop (xrf0)  }
0x1ca: {  	v3 =	vsel vm8, v3, v6;
	v6 =	vbroadcast v12, $0xF;
	v8 =	vbroadcast v8, $0xF;
	v9, _, _ =	vpop (xrf0)  }
0x1cb: {  	v4 =	vsel vm8, v4, v5;
	v9 =	vbroadcast v9, $0xF  }
0x1cc: {  	v3 =	vsel vm12, v3, v7;
	v4 =	vsel vm12, v4, v6  }
0x1cd: {  	v4 =	vsel vm13, v4, v8;
	v3 =	vsel vm13, v3, v9;
	v5, _, _ =	vpop (xrf0)  }
0x1ce: {  	v4 =	vsel vm14, v4, v5;
	v5, _, _ =	vpop (xrf0)  }
0x1cf: {  	s8 =	sand.u32 $0xFF0, s1;
	s1 =	smov.u32 s3;
	v3 =	vsel vm14, v3, v5;
	[tilespmem:s26+$0x0] =	vst v4;
	s26 =	smov.u32 s30  }
0x1d0: {  	[tilespmem:s8+$0x17400] =	vst v3  }
0x1d1: {  	v3 =	vld [tilespmem:s0+$0xFFFFFFB0]  }
0x1d2: {  	v4 =	vld [tilespmem:s0+$0xFFFFFFA0]  }
0x1d3: {  	v5 =	vld [tilespmem:s0+$0xFFFFFF80]  }
0x1d4: {  	v6 =	vld [tilespmem:s0+$0xFFFFFF90]  }
0x1d5: {  	v7 =	vld [tilespmem:s0+$0xFFFFFFC0]  }
0x1d6: {  	v8 =	vand.u32 $0xFFFF, v3;
	v3 =	vshrl.u32 v3, $0x10  }
0x1d7: {  	v9 =	vand.u32 $0xFFFF, v4;
	v4 =	vshrl.u32 v4, $0x10;
	v10 =	vld [tilespmem:s0+$0xFFFFFFD0];
	(xrf0) =	vadd.scan.msk.s32 $0xffff, v3  }
0x1d8: {  	v3 =	vand.u32 $0xFFFF, v5;
	v5 =	vshrl.u32 v5, $0x10;
	v11 =	vld [tilespmem:s0+$0xFFFFFFE0];
	(xrf0) =	vadd.scan.msk.s32 $0xffff, v4  }
0x1d9: {  	v4 =	vand.u32 $0xFFFF, v6;
	v6 =	vshrl.u32 v6, $0x10;
	v12 =	vld [tilespmem:s0+$0xFFFFFFF0];
	(xrf0) =	vadd.scan.msk.s32 $0xffff, v5  }
0x1da: {  	v5 =	vand.u32 $0xFFFF, v7;
	v7 =	vshrl.u32 v7, $0x10;
	v13 =	vld [tilespmem:s0+$0x0];
	(xrf0) =	vadd.scan.msk.s32 $0xffff, v4  }
0x1db: {  	v4 =	vld [tilespmem:s0+$0x10];
	(xrf0) =	vadd.scan.msk.s32 $0xffff, v6  }
0x1dc: {  	v6 =	vand.u32 $0xFFFF, v10;
	v10 =	vshrl.u32 v10, $0x10;
	(xrf0) =	vadd.scan.msk.s32 $0xffff, v3  }
0x1dd: {  	v3 =	vand.u32 $0xFFFF, v11;
	v14, _, _ =	vpop (xrf0);
	(xrf0) =	vadd.scan.msk.s32 $0xffff, v6  }
0x1de: {  	v6 =	vshrl.u32 v11, $0x10;
	v11, _, _ =	vpop (xrf0);
	(xrf0) =	vadd.scan.msk.s32 $0xffff, v8  }
0x1df: {  	v8 =	vbroadcast v14, $0xF;
	v14 =	vand.u32 $0xFFFF, v12;
	v15 =	vld [tilespmem:s0+$0x20];
	v16, _, _ =	vpop (xrf0);
	(xrf0) =	vadd.scan.msk.s32 $0xffff, v9  }
0x1e0: {  	v17 =	vshrl.u32 v12, $0x10;
	v12 =	vshrl.u32 v13, $0x10;
	v9 =	vbroadcast v16, $0xF;
	v16, _, _ =	vpop (xrf0);
	(xrf0) =	vadd.scan.msk.s32 $0xffff, v5  }
0x1e1: {  	v5 =	vbroadcast v11, $0xF;
	v11 =	vand.u32 $0xFFFF, v13;
	v13, _, _ =	vpop (xrf0);
	(xrf0) =	vadd.scan.msk.s32 $0xffff, v3  }
0x1e2: {  	v3 =	vbroadcast v16, $0xF;
	v16 =	vshrl.u32 v4, $0x10;
	v13 =	vbroadcast v13, $0xF;
	v18, _, _ =	vpop (xrf0);
	(xrf0) =	vadd.scan.msk.s32 $0xffff, v6  }
0x1e3: {  	v6 =	vbroadcast v18, $0xF;
	v20 =	vld [tilespmem:s0+$0x30];
	v21, _, _ =	vpop (xrf0);
	(xrf0) =	vadd.scan.msk.s32 $0xffff, v14  }
0x1e4: {  	v4 =	vand.u32 $0xFFFF, v4;
	v9 =	vsel vm0, v9, v13;
	v22 =	vld [tilespmem:s0+$0x40];
	v14, _, _ =	vpop (xrf0);
	(xrf0) =	vadd.scan.msk.s32 $0xffff, v10  }
0x1e5: {  	v6 =	vsel vm0, v6, v3;
	v3 =	vsel vm1, v9, v5;
	v9 =	vshrl.u32 v15, $0x10;
	v5, _, _ =	vpop (xrf0);
	(xrf0) =	vadd.scan.msk.s32 $0xffff, v11  }
0x1e6: {  	v3 =	vsel vm2, v3, v8;
	v11 =	vld [tilespmem:s0+$0x50];
	v8, _, _ =	vpop (xrf0);
	(xrf0) =	vadd.scan.msk.s32 $0xffff, v16  }
0x1e7: {  	v23 =	vand.u32 $0xFFFF, v15;
	v16 =	vbroadcast v5, $0xF;
	v10 =	vld [tilespmem:s0+$0x60];
	(xrf0) =	vadd.scan.msk.s32 $0xffff, v7;
	v7, _, _ =	vpop (xrf0)  }
.Ltmp5:
0x1e8: {  	v13 =	vand.u32 $0xFFFF, v20;
	v5, _, _ =	vpop (xrf0);
	(xrf0) =	vadd.scan.msk.s32 $0xffff, v12;
	(pc) =	sbr.rel @p1 .LBB2_8-.Ltmp5, $4  }
0x1e9: {  	v19 =	vbroadcast v14, $0xF;
	v18 =	vsel vm1, v6, v16;
	v15 =	vshrl.u32 v20, $0x10;
	v6, _, _ =	vpop (xrf0);
	(xrf0) =	vadd.scan.msk.s32 $0xffff, v4  }
0x1ea: {  	v12 =	vbroadcast v8, $0xF;
	v7 =	vbroadcast v7, $0xF;
	v14 =	vshrl.u32 v22, $0x10;
	v20, _, _ =	vpop (xrf0);
	(xrf0) =	vadd.scan.msk.s32 $0xffff, v9  }
0x1eb: {  	v6 =	vbroadcast v6, $0xF;
	v8 =	vand.u32 $0xFFFF, v11;
	v16 =	vshrl.u32 v11, $0x10;
	v11, _, _ =	vpop (xrf0);
	(xrf0) =	vadd.scan.msk.s32 $0xffff, v23  }
0x1ec: {  	v21 =	vbroadcast v21, $0xF;
	v9 =	vand.u32 $0xFFFF, v22;
	v4 =	vshrl.u32 v10, $0x10;
	(xrf0) =	vadd.scan.msk.s32 $0xffff, v17;
	v17, _, _ =	vpop (xrf0)  }
0x1ed: {  	v22, _, _ =	vpop (xrf0);
	(xrf0) =	vadd.scan.msk.s32 $0xffff, v13  }
0x1ee: {  	v31, _, _ =	vpop (xrf0);
	(xrf0) =	vadd.scan.msk.s32 $0xffff, v15  }
0x1ef: {  	v32 =	vsel vm2, v18, v19;
	v10 =	vand.u32 $0xFFFF, v10;
	v33, _, _ =	vpop (xrf0);
	(xrf0) =	vadd.scan.msk.s32 $0xffff, v14  }
0x1f0: {  	v35 =	vbroadcast v20, $0xF;
	v5 =	vbroadcast v5, $0xF;
	v12 =	vsel vm3, v32, v12;
	v36, _, _ =	vpop (xrf0);
	(xrf0) =	vadd.scan.msk.s32 $0xffff, v16  }
0x1f1: {  	v37 =	vld [tilespmem:s29+$0x70];
	v39 =	vbroadcast v11, $0xF;
	v34 =	vbroadcast v22, $0xF;
	v12 =	vsel vm4, v12, v21;
	v38, _, _ =	vpop (xrf0);
	(xrf0) =	vadd.scan.msk.s32 $0xffff, v8  }
0x1f2: {  	v45 =	vbroadcast v17, $0xF;
	v13 =	vbroadcast v31, $0xF;
	v7 =	vsel vm5, v12, v7;
	v40, _, _ =	vpop (xrf0);
	(xrf0) =	vadd.scan.msk.s32 $0xffff, v9  }
0x1f3: {  	v3 =	vsel vm3, v3, v34;
	v41 =	vbroadcast v33, $0xF;
	v6 =	vsel vm6, v7, v6;
	v42, _, _ =	vpop (xrf0)  }
0x1f4: {  	v3 =	vsel vm4, v3, v35;
	v50 =	vbroadcast v36, $0xF;
	v6 =	vsel vm7, v6, v39;
	(xrf0) =	vadd.scan.msk.s32 $0xffff, v10;
	v44, _, _ =	vpop (xrf0)  }
0x1f5: {  	v43 =	vbroadcast v38, $0xF;
	v3 =	vsel vm5, v3, v5;
	v11 =	vbroadcast v40, $0xF;
	(xrf0) =	vadd.scan.msk.s32 $0xffff, v4;
	v47, _, _ =	vpop (xrf0)  }
0x1f6: {  	v48 =	vand.u32 $0xFFFF, v37;
	v51 =	vshrl.u32 v37, $0x10;
	v46 =	vsel vm10, v6, v41;
	v49, _, _ =	vpop (xrf0)  }
0x1f7: {  	v5 =	vsel vm11, v46, v43;
	v9 =	vbroadcast v42, $0xF;
	v3 =	vsel vm6, v3, v11;
	(xrf0) =	vadd.scan.msk.s32 $0xffff, v48;
	v52, _, _ =	vpop (xrf0)  }
0x1f8: {  	v53 =	vbroadcast v44, $0xF;
	v3 =	vsel vm7, v3, v13;
	v4 =	vbroadcast v47, $0xF;
	v54, _, _ =	vpop (xrf0);
	(xrf0) =	vadd.scan.msk.s32 $0xffff, v51  }
0x1f9: {  	v5 =	vsel vm9, v5, v9;
	v3 =	vsel vm10, v3, v45;
	v55 =	vbroadcast v54, $0xF  }
0x1fa: {  	v7 =	vbroadcast v49, $0xF;
	v3 =	vsel vm11, v3, v50;
	v57 =	vbroadcast v52, $0xF;
	v56, _, _ =	vpop (xrf0)  }
0x1fb: {  	v3 =	vsel vm9, v3, v53;
	v58 =	vbroadcast v56, $0xF;
	v59, _, _ =	vpop (xrf0);
	v5 =	vsel vm8, v5, v55  }
0x1fc: {  	v3 =	vsel vm8, v3, v4;
	v60 =	vbroadcast v59, $0xF;
	v5 =	vsel vm12, v5, v57  }
0x1fd: {  	v3 =	vsel vm12, v3, v7;
	v61, _, _ =	vpop (xrf0);
	v5 =	vsel vm13, v5, v58  }
0x1fe: {  	v3 =	vsel vm13, v3, v60;
	v62 =	vsel vm14, v5, v61;
	v63, _, _ =	vpop (xrf0)  }
0x1ff: {  	s0 =	sand.u32 $0xFF0, s1;
	v3 =	vsel vm14, v3, v63;
	[tilespmem:s26+$0x0] =	vst v62  }
0x200: {  	[tilespmem:s0+$0x17400] =	vst v3  }
0x201: {  	[spmem:s7] =	stream.strided.scatter [tilespmem:s24], [sflag:$0x1], $0x2000, s23, s17, $0x38;
	[tilespmem:$0x1C480] =	vst v63  }
.Ltmp6:
0x202: {  	_ =	swait.ge [sflag:s19], $0x2000;
	(pc) =	sbr.rel @p0 .LBB2_27-.Ltmp6, $3  }
0x203: {  	[sflag:s19] =	ssyncset.done $0x0  }
0x204: {  	[sflag:s19] =	ssyncadd.s32 $0xFFFFE000  }
0x205: {  	[bflag:$0x0] =	sbarrier.arrive $0xFFFF;
	_ =	sdelay $0x1  }
0x206: {  	[tilespmem:s25], [sflag:$0x1] =	stream.strided.gather [spmem:s10], $0x2000, s23, s17, $0x38;
	[tilespmem:$0x1C480] =	vst v63  }
0x207: {  	_ =	swait.ge [sflag:s19], $0x2000  }
0x208: {  	[sflag:s19] =	ssyncset.done $0x0  }
0x209: {  	s0 =	simm.s32 $0x0;
	[sflag:s19] =	ssyncadd.s32 $0xFFFFE000  }
0x20a: {  	s1 =	simm.s32 $0x40;
	v3 =	vld [tilespmem:s0+$0x18400]  }
.LBB2_11:
0x20b: {  	p1 =	sne.s32 s1, $0x7FC0;
	v4 =	vld [tilespmem:s0+$0x16400];
	_ =	sdelay $0x1  }
.Ltmp7:
0x20c: {  	(pc) =	sbr.rel @p1 .LBB2_11-.Ltmp7, $3  }
0x20d: {  	_ =	sdelay $0x1  }
0x20e: {  	s3 =	sshra.s32 s1, $0x2;
	v4 =	vadd.s32 v4, v3  }
0x20f: {  	s1 =	sadd.s32 $0x40, s1;
	v3 =	vld [tilespmem:s3+$0x18400];
	[tilespmem:s0+$0x16400] =	vst v4;
	s0 =	smov.u32 s3  }
0x210: {  	v4 =	vld [tilespmem:s0+$0x16400];
	_ =	sdelay $0x4  }
0x211: {  	v3 =	vadd.s32 v4, v3  }
0x212: {  	[tilespmem:s0+$0x16400] =	vst v3  }
0x213: {  	[tilespmem:s25], [sflag:$0x1] =	stream.strided.gather [spmem:s11], $0x2000, s23, s17, $0x38;
	[tilespmem:$0x1C480] =	vst v63  }
0x214: {  	_ =	swait.ge [sflag:s19], $0x2000  }
0x215: {  	[sflag:s19] =	ssyncset.done $0x0  }
0x216: {  	s0 =	simm.s32 $0x0;
	[sflag:s19] =	ssyncadd.s32 $0xFFFFE000  }
0x217: {  	s1 =	simm.s32 $0x40;
	v3 =	vld [tilespmem:s0+$0x18400]  }
.LBB2_13:
0x218: {  	p1 =	sne.s32 s1, $0x7FC0;
	v4 =	vld [tilespmem:s0+$0x16400];
	_ =	sdelay $0x1  }
.Ltmp8:
0x219: {  	(pc) =	sbr.rel @p1 .LBB2_13-.Ltmp8, $3  }
0x21a: {  	_ =	sdelay $0x1  }
0x21b: {  	s3 =	sshra.s32 s1, $0x2;
	v4 =	vadd.s32 v4, v3  }
0x21c: {  	s1 =	sadd.s32 $0x40, s1;
	v3 =	vld [tilespmem:s3+$0x18400];
	[tilespmem:s0+$0x16400] =	vst v4;
	s0 =	smov.u32 s3  }
0x21d: {  	v4 =	vld [tilespmem:s0+$0x16400];
	_ =	sdelay $0x4  }
0x21e: {  	v3 =	vadd.s32 v4, v3  }
0x21f: {  	[tilespmem:s0+$0x16400] =	vst v3  }
0x220: {  	[tilespmem:s25], [sflag:$0x1] =	stream.strided.gather [spmem:s12], $0x2000, s23, s17, $0x38;
	[tilespmem:$0x1C480] =	vst v63  }
0x221: {  	_ =	swait.ge [sflag:s19], $0x2000  }
0x222: {  	[sflag:s19] =	ssyncset.done $0x0  }
0x223: {  	s0 =	simm.s32 $0x0;
	[sflag:s19] =	ssyncadd.s32 $0xFFFFE000  }
0x224: {  	s1 =	simm.s32 $0x40;
	v3 =	vld [tilespmem:s0+$0x18400]  }
.LBB2_15:
0x225: {  	p1 =	sne.s32 s1, $0x7FC0;
	v4 =	vld [tilespmem:s0+$0x16400];
	_ =	sdelay $0x1  }
.Ltmp9:
0x226: {  	(pc) =	sbr.rel @p1 .LBB2_15-.Ltmp9, $3  }
0x227: {  	_ =	sdelay $0x1  }
0x228: {  	s3 =	sshra.s32 s1, $0x2;
	v4 =	vadd.s32 v4, v3  }
0x229: {  	s1 =	sadd.s32 $0x40, s1;
	v3 =	vld [tilespmem:s3+$0x18400];
	[tilespmem:s0+$0x16400] =	vst v4;
	s0 =	smov.u32 s3  }
0x22a: {  	v4 =	vld [tilespmem:s0+$0x16400];
	_ =	sdelay $0x4  }
0x22b: {  	v3 =	vadd.s32 v4, v3  }
0x22c: {  	[tilespmem:s0+$0x16400] =	vst v3  }
0x22d: {  	[tilespmem:s25], [sflag:$0x1] =	stream.strided.gather [spmem:s13], $0x2000, s23, s17, $0x38;
	[tilespmem:$0x1C480] =	vst v63  }
0x22e: {  	_ =	swait.ge [sflag:s19], $0x2000  }
0x22f: {  	[sflag:s19] =	ssyncset.done $0x0  }
0x230: {  	s0 =	simm.s32 $0x0;
	[sflag:s19] =	ssyncadd.s32 $0xFFFFE000  }
0x231: {  	s1 =	simm.s32 $0x40;
	v3 =	vld [tilespmem:s0+$0x18400]  }
.LBB2_17:
0x232: {  	p1 =	sne.s32 s1, $0x7FC0;
	v4 =	vld [tilespmem:s0+$0x16400];
	_ =	sdelay $0x1  }
.Ltmp10:
0x233: {  	(pc) =	sbr.rel @p1 .LBB2_17-.Ltmp10, $3  }
0x234: {  	_ =	sdelay $0x1  }
0x235: {  	s3 =	sshra.s32 s1, $0x2;
	v4 =	vadd.s32 v4, v3  }
0x236: {  	s1 =	sadd.s32 $0x40, s1;
	v3 =	vld [tilespmem:s3+$0x18400];
	[tilespmem:s0+$0x16400] =	vst v4;
	s0 =	smov.u32 s3  }
0x237: {  	v4 =	vld [tilespmem:s0+$0x16400];
	_ =	sdelay $0x4  }
0x238: {  	v3 =	vadd.s32 v4, v3  }
0x239: {  	[tilespmem:s0+$0x16400] =	vst v3  }
0x23a: {  	[tilespmem:s25], [sflag:$0x1] =	stream.strided.gather [spmem:s14], $0x2000, s23, s17, $0x38;
	[tilespmem:$0x1C480] =	vst v63  }
0x23b: {  	_ =	swait.ge [sflag:s19], $0x2000  }
0x23c: {  	[sflag:s19] =	ssyncset.done $0x0  }
0x23d: {  	s0 =	simm.s32 $0x0;
	[sflag:s19] =	ssyncadd.s32 $0xFFFFE000  }
0x23e: {  	s1 =	simm.s32 $0x40;
	v3 =	vld [tilespmem:s0+$0x18400]  }
.LBB2_19:
0x23f: {  	p1 =	sne.s32 s1, $0x7FC0;
	v4 =	vld [tilespmem:s0+$0x16400];
	_ =	sdelay $0x1  }
.Ltmp11:
0x240: {  	(pc) =	sbr.rel @p1 .LBB2_19-.Ltmp11, $3  }
0x241: {  	_ =	sdelay $0x1  }
0x242: {  	s3 =	sshra.s32 s1, $0x2;
	v4 =	vadd.s32 v4, v3  }
0x243: {  	s1 =	sadd.s32 $0x40, s1;
	v3 =	vld [tilespmem:s3+$0x18400];
	[tilespmem:s0+$0x16400] =	vst v4;
	s0 =	smov.u32 s3  }
0x244: {  	v4 =	vld [tilespmem:s0+$0x16400];
	_ =	sdelay $0x4  }
0x245: {  	v3 =	vadd.s32 v4, v3  }
0x246: {  	[tilespmem:s0+$0x16400] =	vst v3  }
0x247: {  	[tilespmem:s25], [sflag:$0x1] =	stream.strided.gather [spmem:s15], $0x2000, s23, s17, $0x38;
	[tilespmem:$0x1C480] =	vst v63  }
0x248: {  	_ =	swait.ge [sflag:s19], $0x2000  }
0x249: {  	[sflag:s19] =	ssyncset.done $0x0  }
0x24a: {  	s0 =	simm.s32 $0x0;
	[sflag:s19] =	ssyncadd.s32 $0xFFFFE000  }
0x24b: {  	s1 =	simm.s32 $0x40;
	v3 =	vld [tilespmem:s0+$0x18400]  }
.LBB2_21:
0x24c: {  	p1 =	sne.s32 s1, $0x7FC0;
	v4 =	vld [tilespmem:s0+$0x16400];
	_ =	sdelay $0x1  }
.Ltmp12:
0x24d: {  	(pc) =	sbr.rel @p1 .LBB2_21-.Ltmp12, $3  }
0x24e: {  	_ =	sdelay $0x1  }
0x24f: {  	s3 =	sshra.s32 s1, $0x2;
	v4 =	vadd.s32 v4, v3  }
0x250: {  	s1 =	sadd.s32 $0x40, s1;
	v3 =	vld [tilespmem:s3+$0x18400];
	[tilespmem:s0+$0x16400] =	vst v4;
	s0 =	smov.u32 s3  }
0x251: {  	v4 =	vld [tilespmem:s0+$0x16400];
	_ =	sdelay $0x4  }
0x252: {  	v3 =	vadd.s32 v4, v3  }
0x253: {  	[tilespmem:s0+$0x16400] =	vst v3  }
0x254: {  	[tilespmem:s25], [sflag:$0x1] =	stream.strided.gather [spmem:s16], $0x2000, s23, s17, $0x38;
	[tilespmem:$0x1C480] =	vst v63  }
0x255: {  	_ =	swait.ge [sflag:s19], $0x2000  }
0x256: {  	[sflag:s19] =	ssyncset.done $0x0  }
0x257: {  	s0 =	simm.s32 $0x0;
	[sflag:s19] =	ssyncadd.s32 $0xFFFFE000  }
0x258: {  	s1 =	simm.s32 $0x40;
	v3 =	vld [tilespmem:s0+$0x18400]  }
.LBB2_23:
0x259: {  	p1 =	sne.s32 s1, $0x7FC0;
	v4 =	vld [tilespmem:s0+$0x16400];
	_ =	sdelay $0x1  }
.Ltmp13:
0x25a: {  	(pc) =	sbr.rel @p1 .LBB2_23-.Ltmp13, $3  }
0x25b: {  	_ =	sdelay $0x1  }
0x25c: {  	s3 =	sshra.s32 s1, $0x2;
	v4 =	vadd.s32 v4, v3  }
0x25d: {  	s1 =	sadd.s32 $0x40, s1;
	v3 =	vld [tilespmem:s3+$0x18400];
	[tilespmem:s0+$0x16400] =	vst v4;
	s0 =	smov.u32 s3  }
0x25e: {  	v4 =	vld [tilespmem:s0+$0x16400];
	_ =	sdelay $0x4  }
0x25f: {  	v3 =	vadd.s32 v4, v3  }
0x260: {  	s26 =	simm.s32 $0x183F0;
	[tilespmem:s0+$0x16400] =	vst v3  }
0x261: {  	v3 =	vld [tilespmem:s26+$0xFFFFF000];
	_ =	sdelay $0x2  }
0x262: {  	v4 =	vld [tilespmem:s26+$0x0]  }
0x263: {  	v8 =	vmul.u32 $0xFFFFFFFF, v2  }
0x264: {  	v3 =	vcvt.s32.f32 v3  }
0x265: {  	v9 =	vadd.s32 $0xF, v8  }
0x266: {  	v11 =	vperm.xlane v3, v9  }
0x267: {  	s29 =	simm.s32 $0x183E0;
	v3 =	vcvt.s32.f32 v4  }
0x268: {  	v4 =	vld [tilespmem:s29+$0xFFFFF000];
	(xrf2) =	vadd.scan.msk.f32 $0xffff, v11  }
0x269: {  	v12 =	vperm.xlane v3, v9;
	v3 =	vld [tilespmem:s29+$0x0];
	_ =	sdelay $0x3  }
0x26a: {  	(xrf2) =	vadd.scan.msk.f32 $0xffff, v12  }
0x26b: {  	v4 =	vcvt.s32.f32 v4;
	v3 =	vcvt.s32.f32 v3;
	_ =	sdelay $0x1  }
0x26c: {  	v16 =	vperm.xlane v4, v9  }
0x26d: {  	v7 =	vperm.xlane v3, v9  }
0x26e: {  	(xrf2) =	vadd.scan.msk.f32 $0xffff, v16;
	v3, _, _ =	vpop (xrf2)  }
0x26f: {  	s30 =	simm.s32 $0x183D0;
	(xrf2) =	vadd.scan.msk.f32 $0xffff, v7;
	(v2sf) =	vpush v3, $0xF  }
0x270: {  	v4 =	vld [tilespmem:s30+$0xFFFFF000];
	_ =	sdelay $0x2  }
0x271: {  	v6 =	vld [tilespmem:s30+$0x0];
	v5, _, _ =	vpop (xrf2)  }
0x272: {  	s31 =	simm.f32 $0.0e+00;
	(v2sf) =	vpush v5, $0xF  }
0x273: {  	v4 =	vcvt.s32.f32 v4;
	v3 =	vadd.f32 s31, v3;
	_ =	sdelay $0x1  }
0x274: {  	v13 =	vsub.f32 v3, v11;
	v3 =	vperm.xlane v4, v9  }
0x275: {  	v6 =	vcvt.s32.f32 v6;
	v10, _, _ =	vpop (xrf2)  }
0x276: {  	(v2sf) =	vpush v10, $0xF;
	v14, _, _ =	vpop (xrf2);
	(xrf2) =	vadd.scan.msk.f32 $0xffff, v3  }
0x277: {  	v4 =	vperm.xlane v6, v9  }
0x278: {  	s1 =	simm.s32 $0x183C0;
	v6 =	vadd.f32 $2.621440000e+05, v13;
	(v2sf) =	vpush v14, $0xF  }
0x279: {  	v13 =	vld [tilespmem:s1+$0xFFFFF000];
	(xrf2) =	vadd.scan.msk.f32 $0xffff, v4  }
0x27a: {  	v17 =	vld [tilespmem:s1+$0x0];
	v15 =	vadd.f32 v6, v11  }
0x27b: {  	v5 =	vadd.f32 s31, v5;
	s3 =	spop (v2sf)  }
0x27c: {  	(erf) = vrcp.f32 v6;
	v15 =	vmul.f32 v15, v6;
	s1 =	sadd.f32 s3, s31  }
0x27d: {  	v5 =	vsub.f32 v12, v5  }
0x27e: {  	v6 =	vcvt.s32.f32 v13;
	(erf) = vrcp.f32 v15;
	v10 =	vadd.f32 s1, v10  }
0x27f: {  	v17 =	vcvt.s32.f32 v17  }
0x280: {  	s29 =	simm.s32 $0xFFF;
	v15 =	vadd.f32 $2.621440000e+05, v5;
	v6 =	vperm.xlane v6, v9;
	s8 =	spop (v2sf);
	v20, _, _ =	vpop (xrf2);
	v10 =	vsub.f32 v10, v16  }
0x281: {  	v18 =	vadd.s32 s29, v8;
	s0 =	sadd.f32 s8, s31;
	(v2sf) =	vpush v20, $0xF  }
0x282: {  	v19 =	vsub.f32 v15, v12;
	(xrf2) =	vadd.scan.msk.f32 $0xffff, v6;
	s31 =	simm.s32 $0x183B0;
	v21 =	vadd.f32 $2.621440000e+05, v10;
	v10 =	vperm.xlane v17, v9  }
0x283: {  	s26 =	simm.s32 $0xFEF;
	v26 =	vcvt.s32.f32 v18;
	v22 =	vld [tilespmem:s31+$0xFFFFF000];
	v14 =	vadd.f32 s0, v14;
	v23, _, _ =	vpop (xrf2)  }
0x284: {  	v13 =	vadd.s32 s26, v8;
	(v2sf) =	vpush v23, $0xF;
	v17 =	vmul.f32 v19, v11;
	v19 =	vld [tilespmem:s31+$0x0];
	(xrf2) =	vadd.scan.msk.f32 $0xffff, v10  }
0x285: {  	s30 =	simm.s32 $0xFDF;
	s26 =	simm.s32 $0xFCF;
	v5 =	vimm.f32 $0.0e+00;
	v25 =	vpop (erf);
	v14 =	vsub.f32 v7, v14;
	s29 =	spop (v2sf);
	v24 =	vadd.f32 v21, v16  }
0x286: {  	v15 =	vadd.s32 s30, v8;
	v18 =	vmul.f32 v25, v12;
	v11 =	vadd.s32 s26, v8;
	s1 =	sadd.f32 s29, s1  }
0x287: {  	v12 =	vadd.f32 $2.621440000e+05, v14;
	(erf) = vrcp.f32 v21;
	s30 =	spop (v2sf);
	v14 =	vmul.f32 v24, v21;
	v21 =	vpop (erf)  }
0x288: {  	v22 =	vcvt.s32.f32 v22;
	v20 =	vadd.f32 s1, v20;
	s0 =	sadd.f32 s30, s0;
	v17 =	vmul.f32 v21, v17  }
0x289: {  	v21 =	vsub.f32 v12, v7;
	v63 =	vcvt.s32.f32 v19;
	(erf) = vrcp.f32 v14  }
0x28a: {  	v12 =	vperm.xlane v22, v9;
	v20 =	vsub.f32 v20, v3;
	v22 =	vadd.f32 s0, v23  }
0x28b: {  	s31 =	simm.s32 $0xFBF;
	v23 =	vadd.f32 $5.000000000e-01, v26;
	v19 =	vadd.f32 v17, v18;
	v14 =	vperm.xlane v63, v9  }
0x28c: {  	v18, _, _ =	vpop (xrf2);
	v20 =	vadd.f32 $2.621440000e+05, v20;
	v17 =	vmul.f32 v21, v16;
	(xrf2) =	vadd.scan.msk.f32 $0xffff, v12;
	v16 =	vadd.s32 s31, v8  }
0x28d: {  	s3 =	simm.s32 $0xFAF;
	s26 =	simm.s32 $0x183A0;
	(v2sf) =	vpush v18, $0xF;
	v21 =	vsub.f32 v4, v22;
	v22 =	vmul.f32 $1.953125000e-03, v23  }
.LBB2_25:
0x28e: {  	v23 =	vld [tilespmem:s26+$0xFFFFF000];
	p1 =	sne.s32 s3, $0xF;
	v24, _, _ =	vpop (xrf2);
	s8 =	smov.u32 s3;
	s3 =	sadd.s32 $0xFFFFFFF0, s3  }
0x28f: {  	v21 =	vadd.f32 $2.621440000e+05, v21;
	v19 =	vmul.f32 v19, v22;
	v25 =	vld [tilespmem:s26+$0x0];
	(xrf2) =	vadd.scan.msk.f32 $0xffff, v14;
	(v2sf) =	vpush v24, $0xF  }
0x290: {  	v22 =	vadd.f32 v20, v3;
	v26 =	vcvt.s32.f32 v13;
	v13 =	vmov v15;
	s29 =	spop (v2sf);
	v27 =	vpop (erf)  }
0x291: {  	v21 =	vsub.f32 v21, v4;
	v5 =	vadd.f32 v19, v5;
	s1 =	sadd.f32 s29, s1;
	v27 =	vmul.f32 v27, v7;
	v7 =	vmovc v4  }
0x292: {  	v22 =	vmul.f32 v22, v20;
	(erf) = vrcp.f32 v20;
	v4 =	vpop (erf)  }
0x293: {  	v19 =	vcvt.s32.f32 v23;
	v20 =	vadd.f32 s1, v18;
	s29 =	spop (v2sf);
	v17 =	vmul.f32 v4, v17;
	v4 =	vmovc v10;
	v10 =	vmovc v14  }
.Ltmp14:
0x294: {  	v15 =	vmovc v11;
	v11 =	vmov v16;
	v14 =	vcvt.s32.f32 v25;
	s0 =	sadd.f32 s29, s0;
	(erf) = vrcp.f32 v22;
	(pc) =	sbr.rel @p1 .LBB2_25-.Ltmp14, $4  }
0x295: {  	v23 =	vperm.xlane v19, v9;
	v16 =	vsub.f32 v20, v6;
	v19 =	vadd.f32 v17, v27  }
0x296: {  	v14 =	vperm.xlane v14, v9;
	v18, _, _ =	vpop (xrf2);
	v22 =	vadd.f32 s0, v24;
	v24 =	vadd.f32 $5.000000000e-01, v26  }
0x297: {  	v17 =	vmul.f32 v21, v3;
	v3 =	vmovc v6;
	(xrf2) =	vadd.scan.msk.f32 $0xffff, v23;
	(v2sf) =	vpush v18, $0xF;
	v20 =	vadd.f32 $2.621440000e+05, v16  }
0x298: {  	s26 =	sadd.s32 $0xFFFFFFF0, s26;
	v6 =	vmovc v12;
	v16 =	vadd.s32 s8, v8;
	v12 =	vmovc v23;
	v21 =	vsub.f32 v4, v22;
	v22 =	vmul.f32 $1.953125000e-03, v24  }
.Ltmp15:
0x299: {  	_ = 	snop;
	(pc) =	sbr.rel .LBB2_26-.Ltmp15, $1  }
0x29a: {  	_ =	sdelay $0x3  }
.LBB2_28:
0x29b: {  	_ =	sfence.sel $0x180000  }
0x29c: {  	[bflag:$0x0] =	sbarrier.arrive $0xFFFF  }
0x29d: {  	_ =	strace $0x90000047  }
0x29e: {  	s0 =	stileid.u32;
	[bflag:$0x2] =	sbarrier.arrive $0xFFFF  }
0x29f: {  	p0 =	sne.s32 s0, $0x0;
	s0 =	rddreg [dreg:$0x2]  }
0x2a0: {  	s0 =	sadd.s32 @!p0 $0x100000, s0  }
0x2a1: {  	[sflag:s0] =	ssyncadd.tile.s32 @!p0 $0x1;
	_ =	shalt  }
.Lfunc_end2:
_tile_overlayer_lowered:
.L_overlay_start_2:
0x2a2: {  	(tag) =	ssettag $0x2  }
0x2a3: {  	s0 =	rddreg [dreg:$0x0];
	s2 =	stileid.u32  }
0x2a4: {  	s1 =	rddreg [dreg:$0x1];
	p0 =	sne.s32 s2, $0x0  }
0x2a5: {  	s3 =	rddreg [dreg:$0x2];
	[bflag:$0x3] =	sbarrier.arrive $0xFFFF;
	s2 =	simm.s32 @!p0 $0x1C01  }
0x2a6: {  	[timem:s3], [sflag:s2] =	dma.local @!p0 [hbm:s0], s1  }
0x2a7: {  	s0 =	simm.s32 @!p0 $0x1  }
0x2a8: {  	_ =	swait.ge @!p0 [sflag:s0], s1  }
0x2a9: {  	s1 =	ssub.s32 @!p0 $0x0, s1;
	[sflag:s0] =	ssyncset.done @!p0 $0x0  }
0x2aa: {  	[sflag:s0] =	ssyncadd.s32 @!p0 s1  }
0x2ab: {  	[bflag:$0x3] =	sbarrier.arrive $0xFFFF  }
0x2ac: {  	_ =	shalt  }

</sc_bundles>
